<compile_context>
chip_gen: v7x
topology: tpu7x:2x2x1
jax: 0.10.2.dev20260603
libtpu: 0.0.44.dev20260713+nightly
codegen_flags: <defaults>
</compile_context>

<pallas_src>
import functools

import jax
import jax.numpy as jnp
from jax import lax
from jax.experimental import pallas as pl
from jax.experimental.pallas import tpu as pltpu
from jax.experimental.pallas import tpu_sc as plsc

_NCODES = 16384
_BATCH = 4096
_D = 512
_L = 16
_NC = 2
_NS = 16
_NW = _NC * _NS
_BPW = _BATCH // _NW
_NCHUNKS = _BATCH // _L


def _body(idx_hbm, data_hbm, out_hbm, idx_v, table_v, src_v, rows_v, sem):
    wid = lax.axis_index("s") * _NC + lax.axis_index("c")

    pltpu.sync_copy(idx_hbm, idx_v)

    lane = lax.iota(jnp.int32, _L)
    nxt_lane = (lane + 1) & (_L - 1)
    last_lane = lane == (_L - 1)

    def chunk_step(c, carry):
        chunk = idx_v[pl.ds(c * _L, _L)]
        comp = chunk * _L + lane
        sk, _ = plsc.sort_key_val(comp, comp)
        nxt = jnp.take(sk, nxt_lane, mode="wrap")
        code = sk >> 4
        is_last = jnp.logical_or(code != (nxt >> 4), last_lane)
        pos = (sk & (_L - 1)) + c * _L
        plsc.store_scatter(table_v, [code], pos, mask=is_last)
        return carry

    lax.fori_loop(0, _NCHUNKS, chunk_step, 0, unroll=8)

    base = wid * _BPW
    for b in range(_BPW // _L):
        my = idx_v[pl.ds(base + b * _L, _L)]
        src_v[pl.ds(b * _L, _L)] = plsc.load_gather(table_v, [my])

    pltpu.async_copy(data_hbm.at[src_v], rows_v, sem).wait()
    pltpu.sync_copy(rows_v, out_hbm.at[pl.ds(base, _BPW)])


_cache_lookup = functools.partial(
    pl.kernel,
    out_type=jax.ShapeDtypeStruct((_BATCH, _D), jnp.float32),
    mesh=plsc.VectorSubcoreMesh(
        core_axis_name="c", subcore_axis_name="s",
        num_cores=_NC, num_subcores=_NS),
    scratch_types=[
        pltpu.VMEM((_BATCH,), jnp.int32),
        pltpu.VMEM((_NCODES,), jnp.int32),
        pltpu.VMEM((_BPW,), jnp.int32),
        pltpu.VMEM((_BPW, _D), jnp.float32),
        pltpu.SemaphoreType.DMA,
    ],
    compiler_params=pltpu.CompilerParams(needs_layout_passes=False),
)(_body)


@jax.jit
def kernel(seq_idxs, set_data, cache):
    del cache
    return _cache_lookup(seq_idxs.astype(jnp.int32), set_data)

# --- scband reference (transcript-rebuilt; emitter-appended) ---
"""Pipeline reference for scband-encoder-cache-18313740550284 (READ-ONLY COPY).

The authoritative reference and input builder live on the scoring server;
editing this copy changes nothing except your own understanding.
"""

import jax, jax.numpy as jnp
import numpy as np

NCODES = 16384
ENTRY_SHAPE = (512,)
BATCH = 4096


def setup_inputs(seed: int = 0) -> dict:
    key = jax.random.key(seed)
    k1, k2 = jax.random.split(key)
    seq_idxs = jax.random.randint(k1, (BATCH,), 0, NCODES, dtype=jnp.int64 if jax.config.read('jax_enable_x64') else jnp.int32)
    set_data = jax.random.normal(k2, (BATCH,) + ENTRY_SHAPE, dtype=jnp.float32)
    cache = jnp.zeros((NCODES,) + ENTRY_SHAPE, dtype=jnp.float32)
    return {"seq_idxs": seq_idxs, "set_data": set_data, "cache": cache}


def reference(seq_idxs, set_data, cache):
    # torch: for i in range(len(seq_idxs)): cache[seq_idxs[i]] = set_data[i].detach().clone()
    # -> scatter-overwrite into the cache table (last write wins on duplicates)
    sd = jax.lax.stop_gradient(set_data)
    updated = cache.at[seq_idxs].set(sd)
    # torch: return torch.stack([cache[idx] for idx in seq_idxs], dim=0) -> gather rows
    out = jnp.take(updated, seq_idxs, axis=0)
    return out

if __name__ == "__main__":
    import jax
    _d = setup_inputs()
    print(jax.jit(kernel)(*tuple(_d.values())))

</pallas_src>

<mosaic_0001>
#map = affine_map<(d0, d1) -> (0)>
#map1 = affine_map<(d0, d1) -> (0, 0)>
module attributes {stable_mosaic.version = 14 : i64} {
  func.func @_body(%arg0: i32, %arg1: i32, %arg2: memref<4096xi32, #tpu.memory_space<hbm>>, %arg3: memref<4096x512xf32, #tpu.memory_space<hbm>>, %arg4: memref<4096x512xf32, #tpu.memory_space<hbm>>, %arg5: memref<4096xi32, #tpu.memory_space<vmem>>, %arg6: memref<16384xi32, #tpu.memory_space<vmem>>, %arg7: memref<128xi32, #tpu.memory_space<vmem>>, %arg8: memref<128x512xf32, #tpu.memory_space<vmem>>, %arg9: memref<!tpu.dma_semaphore, #tpu.memory_space<semaphore_mem>>) attributes {dimension_semantics = [#tpu.dimension_semantics<core_parallel>, #tpu.dimension_semantics<subcore_parallel>], iteration_bounds = array<i64: 2, 16>, scalar_prefetch = 0 : i64, scratch_operands = 5 : i64, tpu.core_type = #tpu.core_type<sc_vector_subcore>, window_params = [{transform_indices = #map}, {transform_indices = #map1}, {transform_indices = #map1}]} {
    %mul3A = arith.constant 2 : i32
    %mul3A_0 = arith.muli %arg1, %mul3A : i32
    %add3A = arith.addi %mul3A_0, %arg0 : i32
    "tpu.region"() ({
      %run_scoped3A = tpu.sem_alloc : memref<!tpu.dma_semaphore, #tpu.memory_space<semaphore_mem>>
      tpu.enqueue_dma source(%arg2 : memref<4096xi32, #tpu.memory_space<hbm>>) target(%arg5 : memref<4096xi32, #tpu.memory_space<vmem>>) target_semaphore(%run_scoped3A : memref<!tpu.dma_semaphore, #tpu.memory_space<semaphore_mem>>)
      tpu.wait_dma2 semaphore(%run_scoped3A : memref<!tpu.dma_semaphore, #tpu.memory_space<semaphore_mem>>) src(%arg2 : memref<4096xi32, #tpu.memory_space<hbm>>) dst(%arg5 : memref<4096xi32, #tpu.memory_space<vmem>>)
      tpu.yield
    }) : () -> ()
    %iota3A = tpu.iota {dimensions = array<i32: 0>} : vector<16xi32>
    %add3A_1 = arith.constant 1 : i32
    %add3A_2 = vector.broadcast %add3A_1 : i32 to vector<16xi32>
    %add3A_3 = arith.addi %iota3A, %add3A_2 : vector<16xi32>
    %and3A = arith.constant 15 : i32
    %and3A_4 = vector.broadcast %and3A : i32 to vector<16xi32>
    %and3A_5 = arith.andi %add3A_3, %and3A_4 : vector<16xi32>
    %eq3A = arith.constant 15 : i32
    %eq3A_6 = vector.broadcast %eq3A : i32 to vector<16xi32>
    %eq3A_7 = arith.cmpi eq, %iota3A, %eq3A_6 : vector<16xi32>
    %scan3A = arith.constant 0 : i32
    %scan3A_8 = arith.constant 0 : i32
    %scan3A_9 = arith.constant 256 : i32
    %scan3A_10 = arith.addi %scan3A_8, %scan3A_9 : i32
    %scan3A_11 = arith.constant 8 : i32
    scf.for %scan3A_72 = %scan3A_8 to %scan3A_10 step %scan3A_11  : i32 {
      %mul3A_73 = arith.constant 16 : i32
      %mul3A_74 = arith.muli %scan3A_72, %mul3A_73 : i32
      %get3A_75 = arith.index_cast %mul3A_74 : i32 to index
      %get3A_76 = tpu.vector_load %arg5[%get3A_75] {strides = array<i32>} : memref<4096xi32, #tpu.memory_space<vmem>>, vector<16xi32>,
      %mul3A_77 = arith.constant 16 : i32
      %mul3A_78 = vector.broadcast %mul3A_77 : i32 to vector<16xi32>
      %mul3A_79 = arith.muli %get3A_76, %mul3A_78 : vector<16xi32>
      %add3A_80 = arith.addi %mul3A_79, %iota3A : vector<16xi32>
      %masked_sort3A = arith.constant dense<true> : vector<16xi1>
      %masked_sort3A_81 = arith.constant -2147483648 : i32
      %masked_sort3A_82 = vector.broadcast %masked_sort3A_81 : i32 to vector<16xi32>
      %masked_sort3A_83 = arith.xori %add3A_80, %masked_sort3A_82 : vector<16xi32>
      %masked_sort3A_84, %masked_sort3A_85, %masked_sort3A_86 = tpu.sort %masked_sort3A_83, %add3A_80 masked %masked_sort3A : (vector<16xi32>, vector<16xi32>, vector<16xi1>) -> (vector<16xi1>, vector<16xi32>, vector<16xi32>)
      %masked_sort3A_87 = arith.xori %masked_sort3A_85, %masked_sort3A_82 : vector<16xi32>
      %jit3A = arith.constant 16 : i32
      %eq3A_88 = arith.constant 0 : i32
      %eq3A_89 = arith.cmpi eq, %jit3A, %eq3A_88 : i32
      %jit3A_90 = arith.constant 1 : i32
      %select_n3A = arith.select %eq3A_89, %jit3A_90, %jit3A : i32
      %rem3A = vector.broadcast %select_n3A : i32 to vector<16xi32>
      %rem3A_91 = arith.remsi %and3A_5, %rem3A : vector<16xi32>
      %ne3A = arith.constant 0 : i32
      %ne3A_92 = vector.broadcast %ne3A : i32 to vector<16xi32>
      %ne3A_93 = arith.cmpi ne, %rem3A_91, %ne3A_92 : vector<16xi32>
      %lt3A = arith.constant 0 : i32
      %lt3A_94 = vector.broadcast %lt3A : i32 to vector<16xi32>
      %lt3A_95 = arith.cmpi slt, %rem3A_91, %lt3A_94 : vector<16xi32>
      %lt3A_96 = arith.constant 0 : i32
      %lt3A_97 = arith.cmpi slt, %select_n3A, %lt3A_96 : i32
      %ne3A_98 = vector.broadcast %lt3A_97 : i1 to vector<16xi1>
      %ne3A_99 = vector.broadcast %ne3A_98 : vector<16xi1> to vector<16xi1>
      %ne3A_100 = arith.xori %lt3A_95, %ne3A_99 : vector<16xi1>
      %and3A_101 = arith.andi %ne3A_100, %ne3A_93 : vector<16xi1>
      %add3A_102 = vector.broadcast %select_n3A : i32 to vector<16xi32>
      %add3A_103 = arith.addi %rem3A_91, %add3A_102 : vector<16xi32>
      %select_n3A_104 = arith.select %and3A_101, %add3A_103, %rem3A_91 : vector<16xi1>, vector<16xi32>
      %broadcast_in_dim3A = vector.shape_cast %select_n3A_104 : vector<16xi32> to vector<16x1xi32>
      %gather3A_105 = vector.shape_cast %broadcast_in_dim3A : vector<16x1xi32> to vector<16xi32>
      %gather3A_106 = tpu.dynamic_gather %masked_sort3A_87[%gather3A_105] in [0] : vector<16xi32>, vector<16xi32> -> vector<16xi32>
      %shift_right_arithmetic3A = arith.constant 4 : i32
      %shift_right_arithmetic3A_107 = vector.broadcast %shift_right_arithmetic3A : i32 to vector<16xi32>
      %shift_right_arithmetic3A_108 = arith.shrsi %masked_sort3A_87, %shift_right_arithmetic3A_107 : vector<16xi32>
      %shift_right_arithmetic3A_109 = arith.constant 4 : i32
      %shift_right_arithmetic3A_110 = vector.broadcast %shift_right_arithmetic3A_109 : i32 to vector<16xi32>
      %shift_right_arithmetic3A_111 = arith.shrsi %gather3A_106, %shift_right_arithmetic3A_110 : vector<16xi32>
      %ne3A_112 = arith.cmpi ne, %shift_right_arithmetic3A_108, %shift_right_arithmetic3A_111 : vector<16xi32>
      %or3A = arith.ori %ne3A_112, %eq3A_7 : vector<16xi1>
      %and3A_113 = arith.constant 15 : i32
      %and3A_114 = vector.broadcast %and3A_113 : i32 to vector<16xi32>
      %and3A_115 = arith.andi %masked_sort3A_87, %and3A_114 : vector<16xi32>
      %mul3A_116 = arith.constant 16 : i32
      %mul3A_117 = arith.muli %scan3A_72, %mul3A_116 : i32
      %add3A_118 = vector.broadcast %mul3A_117 : i32 to vector<16xi32>
      %add3A_119 = arith.addi %and3A_115, %add3A_118 : vector<16xi32>
      tpu.vector_store_idx %arg6[%shift_right_arithmetic3A_108], %add3A_119 masked %or3A : memref<16384xi32, #tpu.memory_space<vmem>>[vector<16xi32>], vector<16xi32>, vector<16xi1>
      %scan3A_120 = arith.constant 1 : i32
      %scan3A_121 = arith.addi %scan3A_72, %scan3A_120 : i32
      %mul3A_122 = arith.constant 16 : i32
      %mul3A_123 = arith.muli %scan3A_121, %mul3A_122 : i32
      %get3A_124 = arith.index_cast %mul3A_123 : i32 to index
      %get3A_125 = tpu.vector_load %arg5[%get3A_124] {strides = array<i32>} : memref<4096xi32, #tpu.memory_space<vmem>>, vector<16xi32>,
      %mul3A_126 = arith.constant 16 : i32
      %mul3A_127 = vector.broadcast %mul3A_126 : i32 to vector<16xi32>
      %mul3A_128 = arith.muli %get3A_125, %mul3A_127 : vector<16xi32>
      %add3A_129 = arith.addi %mul3A_128, %iota3A : vector<16xi32>
      %masked_sort3A_130 = arith.constant dense<true> : vector<16xi1>
      %masked_sort3A_131 = arith.constant -2147483648 : i32
      %masked_sort3A_132 = vector.broadcast %masked_sort3A_131 : i32 to vector<16xi32>
      %masked_sort3A_133 = arith.xori %add3A_129, %masked_sort3A_132 : vector<16xi32>
      %masked_sort3A_134, %masked_sort3A_135, %masked_sort3A_136 = tpu.sort %masked_sort3A_133, %add3A_129 masked %masked_sort3A_130 : (vector<16xi32>, vector<16xi32>, vector<16xi1>) -> (vector<16xi1>, vector<16xi32>, vector<16xi32>)
      %masked_sort3A_137 = arith.xori %masked_sort3A_135, %masked_sort3A_132 : vector<16xi32>
      %jit3A_138 = arith.constant 16 : i32
      %eq3A_139 = arith.constant 0 : i32
      %eq3A_140 = arith.cmpi eq, %jit3A_138, %eq3A_139 : i32
      %jit3A_141 = arith.constant 1 : i32
      %select_n3A_142 = arith.select %eq3A_140, %jit3A_141, %jit3A_138 : i32
      %rem3A_143 = vector.broadcast %select_n3A_142 : i32 to vector<16xi32>
      %rem3A_144 = arith.remsi %and3A_5, %rem3A_143 : vector<16xi32>
      %ne3A_145 = arith.constant 0 : i32
      %ne3A_146 = vector.broadcast %ne3A_145 : i32 to vector<16xi32>
      %ne3A_147 = arith.cmpi ne, %rem3A_144, %ne3A_146 : vector<16xi32>
      %lt3A_148 = arith.constant 0 : i32
      %lt3A_149 = vector.broadcast %lt3A_148 : i32 to vector<16xi32>
      %lt3A_150 = arith.cmpi slt, %rem3A_144, %lt3A_149 : vector<16xi32>
      %lt3A_151 = arith.constant 0 : i32
      %lt3A_152 = arith.cmpi slt, %select_n3A_142, %lt3A_151 : i32
      %ne3A_153 = vector.broadcast %lt3A_152 : i1 to vector<16xi1>
      %ne3A_154 = vector.broadcast %ne3A_153 : vector<16xi1> to vector<16xi1>
      %ne3A_155 = arith.xori %lt3A_150, %ne3A_154 : vector<16xi1>
      %and3A_156 = arith.andi %ne3A_155, %ne3A_147 : vector<16xi1>
      %add3A_157 = vector.broadcast %select_n3A_142 : i32 to vector<16xi32>
      %add3A_158 = arith.addi %rem3A_144, %add3A_157 : vector<16xi32>
      %select_n3A_159 = arith.select %and3A_156, %add3A_158, %rem3A_144 : vector<16xi1>, vector<16xi32>
      %broadcast_in_dim3A_160 = vector.shape_cast %select_n3A_159 : vector<16xi32> to vector<16x1xi32>
      %gather3A_161 = vector.shape_cast %broadcast_in_dim3A_160 : vector<16x1xi32> to vector<16xi32>
      %gather3A_162 = tpu.dynamic_gather %masked_sort3A_137[%gather3A_161] in [0] : vector<16xi32>, vector<16xi32> -> vector<16xi32>
      %shift_right_arithmetic3A_163 = arith.constant 4 : i32
      %shift_right_arithmetic3A_164 = vector.broadcast %shift_right_arithmetic3A_163 : i32 to vector<16xi32>
      %shift_right_arithmetic3A_165 = arith.shrsi %masked_sort3A_137, %shift_right_arithmetic3A_164 : vector<16xi32>
      %shift_right_arithmetic3A_166 = arith.constant 4 : i32
      %shift_right_arithmetic3A_167 = vector.broadcast %shift_right_arithmetic3A_166 : i32 to vector<16xi32>
      %shift_right_arithmetic3A_168 = arith.shrsi %gather3A_162, %shift_right_arithmetic3A_167 : vector<16xi32>
      %ne3A_169 = arith.cmpi ne, %shift_right_arithmetic3A_165, %shift_right_arithmetic3A_168 : vector<16xi32>
      %or3A_170 = arith.ori %ne3A_169, %eq3A_7 : vector<16xi1>
      %and3A_171 = arith.constant 15 : i32
      %and3A_172 = vector.broadcast %and3A_171 : i32 to vector<16xi32>
      %and3A_173 = arith.andi %masked_sort3A_137, %and3A_172 : vector<16xi32>
      %mul3A_174 = arith.constant 16 : i32
      %mul3A_175 = arith.muli %scan3A_121, %mul3A_174 : i32
      %add3A_176 = vector.broadcast %mul3A_175 : i32 to vector<16xi32>
      %add3A_177 = arith.addi %and3A_173, %add3A_176 : vector<16xi32>
      tpu.vector_store_idx %arg6[%shift_right_arithmetic3A_165], %add3A_177 masked %or3A_170 : memref<16384xi32, #tpu.memory_space<vmem>>[vector<16xi32>], vector<16xi32>, vector<16xi1>
      %scan3A_178 = arith.constant 2 : i32
      %scan3A_179 = arith.addi %scan3A_72, %scan3A_178 : i32
      %mul3A_180 = arith.constant 16 : i32
      %mul3A_181 = arith.muli %scan3A_179, %mul3A_180 : i32
      %get3A_182 = arith.index_cast %mul3A_181 : i32 to index
      %get3A_183 = tpu.vector_load %arg5[%get3A_182] {strides = array<i32>} : memref<4096xi32, #tpu.memory_space<vmem>>, vector<16xi32>,
      %mul3A_184 = arith.constant 16 : i32
      %mul3A_185 = vector.broadcast %mul3A_184 : i32 to vector<16xi32>
      %mul3A_186 = arith.muli %get3A_183, %mul3A_185 : vector<16xi32>
      %add3A_187 = arith.addi %mul3A_186, %iota3A : vector<16xi32>
      %masked_sort3A_188 = arith.constant dense<true> : vector<16xi1>
      %masked_sort3A_189 = arith.constant -2147483648 : i32
      %masked_sort3A_190 = vector.broadcast %masked_sort3A_189 : i32 to vector<16xi32>
      %masked_sort3A_191 = arith.xori %add3A_187, %masked_sort3A_190 : vector<16xi32>
      %masked_sort3A_192, %masked_sort3A_193, %masked_sort3A_194 = tpu.sort %masked_sort3A_191, %add3A_187 masked %masked_sort3A_188 : (vector<16xi32>, vector<16xi32>, vector<16xi1>) -> (vector<16xi1>, vector<16xi32>, vector<16xi32>)
      %masked_sort3A_195 = arith.xori %masked_sort3A_193, %masked_sort3A_190 : vector<16xi32>
      %jit3A_196 = arith.constant 16 : i32
      %eq3A_197 = arith.constant 0 : i32
      %eq3A_198 = arith.cmpi eq, %jit3A_196, %eq3A_197 : i32
      %jit3A_199 = arith.constant 1 : i32
      %select_n3A_200 = arith.select %eq3A_198, %jit3A_199, %jit3A_196 : i32
      %rem3A_201 = vector.broadcast %select_n3A_200 : i32 to vector<16xi32>
      %rem3A_202 = arith.remsi %and3A_5, %rem3A_201 : vector<16xi32>
      %ne3A_203 = arith.constant 0 : i32
      %ne3A_204 = vector.broadcast %ne3A_203 : i32 to vector<16xi32>
      %ne3A_205 = arith.cmpi ne, %rem3A_202, %ne3A_204 : vector<16xi32>
      %lt3A_206 = arith.constant 0 : i32
      %lt3A_207 = vector.broadcast %lt3A_206 : i32 to vector<16xi32>
      %lt3A_208 = arith.cmpi slt, %rem3A_202, %lt3A_207 : vector<16xi32>
      %lt3A_209 = arith.constant 0 : i32
      %lt3A_210 = arith.cmpi slt, %select_n3A_200, %lt3A_209 : i32
      %ne3A_211 = vector.broadcast %lt3A_210 : i1 to vector<16xi1>
      %ne3A_212 = vector.broadcast %ne3A_211 : vector<16xi1> to vector<16xi1>
      %ne3A_213 = arith.xori %lt3A_208, %ne3A_212 : vector<16xi1>
      %and3A_214 = arith.andi %ne3A_213, %ne3A_205 : vector<16xi1>
      %add3A_215 = vector.broadcast %select_n3A_200 : i32 to vector<16xi32>
      %add3A_216 = arith.addi %rem3A_202, %add3A_215 : vector<16xi32>
      %select_n3A_217 = arith.select %and3A_214, %add3A_216, %rem3A_202 : vector<16xi1>, vector<16xi32>
      %broadcast_in_dim3A_218 = vector.shape_cast %select_n3A_217 : vector<16xi32> to vector<16x1xi32>
      %gather3A_219 = vector.shape_cast %broadcast_in_dim3A_218 : vector<16x1xi32> to vector<16xi32>
      %gather3A_220 = tpu.dynamic_gather %masked_sort3A_195[%gather3A_219] in [0] : vector<16xi32>, vector<16xi32> -> vector<16xi32>
      %shift_right_arithmetic3A_221 = arith.constant 4 : i32
      %shift_right_arithmetic3A_222 = vector.broadcast %shift_right_arithmetic3A_221 : i32 to vector<16xi32>
      %shift_right_arithmetic3A_223 = arith.shrsi %masked_sort3A_195, %shift_right_arithmetic3A_222 : vector<16xi32>
      %shift_right_arithmetic3A_224 = arith.constant 4 : i32
      %shift_right_arithmetic3A_225 = vector.broadcast %shift_right_arithmetic3A_224 : i32 to vector<16xi32>
      %shift_right_arithmetic3A_226 = arith.shrsi %gather3A_220, %shift_right_arithmetic3A_225 : vector<16xi32>
      %ne3A_227 = arith.cmpi ne, %shift_right_arithmetic3A_223, %shift_right_arithmetic3A_226 : vector<16xi32>
      %or3A_228 = arith.ori %ne3A_227, %eq3A_7 : vector<16xi1>
      %and3A_229 = arith.constant 15 : i32
      %and3A_230 = vector.broadcast %and3A_229 : i32 to vector<16xi32>
      %and3A_231 = arith.andi %masked_sort3A_195, %and3A_230 : vector<16xi32>
      %mul3A_232 = arith.constant 16 : i32
      %mul3A_233 = arith.muli %scan3A_179, %mul3A_232 : i32
      %add3A_234 = vector.broadcast %mul3A_233 : i32 to vector<16xi32>
      %add3A_235 = arith.addi %and3A_231, %add3A_234 : vector<16xi32>
      tpu.vector_store_idx %arg6[%shift_right_arithmetic3A_223], %add3A_235 masked %or3A_228 : memref<16384xi32, #tpu.memory_space<vmem>>[vector<16xi32>], vector<16xi32>, vector<16xi1>
      %scan3A_236 = arith.constant 3 : i32
      %scan3A_237 = arith.addi %scan3A_72, %scan3A_236 : i32
      %mul3A_238 = arith.constant 16 : i32
      %mul3A_239 = arith.muli %scan3A_237, %mul3A_238 : i32
      %get3A_240 = arith.index_cast %mul3A_239 : i32 to index
      %get3A_241 = tpu.vector_load %arg5[%get3A_240] {strides = array<i32>} : memref<4096xi32, #tpu.memory_space<vmem>>, vector<16xi32>,
      %mul3A_242 = arith.constant 16 : i32
      %mul3A_243 = vector.broadcast %mul3A_242 : i32 to vector<16xi32>
      %mul3A_244 = arith.muli %get3A_241, %mul3A_243 : vector<16xi32>
      %add3A_245 = arith.addi %mul3A_244, %iota3A : vector<16xi32>
      %masked_sort3A_246 = arith.constant dense<true> : vector<16xi1>
      %masked_sort3A_247 = arith.constant -2147483648 : i32
      %masked_sort3A_248 = vector.broadcast %masked_sort3A_247 : i32 to vector<16xi32>
      %masked_sort3A_249 = arith.xori %add3A_245, %masked_sort3A_248 : vector<16xi32>
      %masked_sort3A_250, %masked_sort3A_251, %masked_sort3A_252 = tpu.sort %masked_sort3A_249, %add3A_245 masked %masked_sort3A_246 : (vector<16xi32>, vector<16xi32>, vector<16xi1>) -> (vector<16xi1>, vector<16xi32>, vector<16xi32>)
      %masked_sort3A_253 = arith.xori %masked_sort3A_251, %masked_sort3A_248 : vector<16xi32>
      %jit3A_254 = arith.constant 16 : i32
      %eq3A_255 = arith.constant 0 : i32
      %eq3A_256 = arith.cmpi eq, %jit3A_254, %eq3A_255 : i32
      %jit3A_257 = arith.constant 1 : i32
      %select_n3A_258 = arith.select %eq3A_256, %jit3A_257, %jit3A_254 : i32
      %rem3A_259 = vector.broadcast %select_n3A_258 : i32 to vector<16xi32>
      %rem3A_260 = arith.remsi %and3A_5, %rem3A_259 : vector<16xi32>
      %ne3A_261 = arith.constant 0 : i32
      %ne3A_262 = vector.broadcast %ne3A_261 : i32 to vector<16xi32>
      %ne3A_263 = arith.cmpi ne, %rem3A_260, %ne3A_262 : vector<16xi32>
      %lt3A_264 = arith.constant 0 : i32
      %lt3A_265 = vector.broadcast %lt3A_264 : i32 to vector<16xi32>
      %lt3A_266 = arith.cmpi slt, %rem3A_260, %lt3A_265 : vector<16xi32>
      %lt3A_267 = arith.constant 0 : i32
      %lt3A_268 = arith.cmpi slt, %select_n3A_258, %lt3A_267 : i32
      %ne3A_269 = vector.broadcast %lt3A_268 : i1 to vector<16xi1>
      %ne3A_270 = vector.broadcast %ne3A_269 : vector<16xi1> to vector<16xi1>
      %ne3A_271 = arith.xori %lt3A_266, %ne3A_270 : vector<16xi1>
      %and3A_272 = arith.andi %ne3A_271, %ne3A_263 : vector<16xi1>
      %add3A_273 = vector.broadcast %select_n3A_258 : i32 to vector<16xi32>
      %add3A_274 = arith.addi %rem3A_260, %add3A_273 : vector<16xi32>
      %select_n3A_275 = arith.select %and3A_272, %add3A_274, %rem3A_260 : vector<16xi1>, vector<16xi32>
      %broadcast_in_dim3A_276 = vector.shape_cast %select_n3A_275 : vector<16xi32> to vector<16x1xi32>
      %gather3A_277 = vector.shape_cast %broadcast_in_dim3A_276 : vector<16x1xi32> to vector<16xi32>
      %gather3A_278 = tpu.dynamic_gather %masked_sort3A_253[%gather3A_277] in [0] : vector<16xi32>, vector<16xi32> -> vector<16xi32>
      %shift_right_arithmetic3A_279 = arith.constant 4 : i32
      %shift_right_arithmetic3A_280 = vector.broadcast %shift_right_arithmetic3A_279 : i32 to vector<16xi32>
      %shift_right_arithmetic3A_281 = arith.shrsi %masked_sort3A_253, %shift_right_arithmetic3A_280 : vector<16xi32>
      %shift_right_arithmetic3A_282 = arith.constant 4 : i32
      %shift_right_arithmetic3A_283 = vector.broadcast %shift_right_arithmetic3A_282 : i32 to vector<16xi32>
      %shift_right_arithmetic3A_284 = arith.shrsi %gather3A_278, %shift_right_arithmetic3A_283 : vector<16xi32>
      %ne3A_285 = arith.cmpi ne, %shift_right_arithmetic3A_281, %shift_right_arithmetic3A_284 : vector<16xi32>
      %or3A_286 = arith.ori %ne3A_285, %eq3A_7 : vector<16xi1>
      %and3A_287 = arith.constant 15 : i32
      %and3A_288 = vector.broadcast %and3A_287 : i32 to vector<16xi32>
      %and3A_289 = arith.andi %masked_sort3A_253, %and3A_288 : vector<16xi32>
      %mul3A_290 = arith.constant 16 : i32
      %mul3A_291 = arith.muli %scan3A_237, %mul3A_290 : i32
      %add3A_292 = vector.broadcast %mul3A_291 : i32 to vector<16xi32>
      %add3A_293 = arith.addi %and3A_289, %add3A_292 : vector<16xi32>
      tpu.vector_store_idx %arg6[%shift_right_arithmetic3A_281], %add3A_293 masked %or3A_286 : memref<16384xi32, #tpu.memory_space<vmem>>[vector<16xi32>], vector<16xi32>, vector<16xi1>
      %scan3A_294 = arith.constant 4 : i32
      %scan3A_295 = arith.addi %scan3A_72, %scan3A_294 : i32
      %mul3A_296 = arith.constant 16 : i32
      %mul3A_297 = arith.muli %scan3A_295, %mul3A_296 : i32
      %get3A_298 = arith.index_cast %mul3A_297 : i32 to index
      %get3A_299 = tpu.vector_load %arg5[%get3A_298] {strides = array<i32>} : memref<4096xi32, #tpu.memory_space<vmem>>, vector<16xi32>,
      %mul3A_300 = arith.constant 16 : i32
      %mul3A_301 = vector.broadcast %mul3A_300 : i32 to vector<16xi32>
      %mul3A_302 = arith.muli %get3A_299, %mul3A_301 : vector<16xi32>
      %add3A_303 = arith.addi %mul3A_302, %iota3A : vector<16xi32>
      %masked_sort3A_304 = arith.constant dense<true> : vector<16xi1>
      %masked_sort3A_305 = arith.constant -2147483648 : i32
      %masked_sort3A_306 = vector.broadcast %masked_sort3A_305 : i32 to vector<16xi32>
      %masked_sort3A_307 = arith.xori %add3A_303, %masked_sort3A_306 : vector<16xi32>
      %masked_sort3A_308, %masked_sort3A_309, %masked_sort3A_310 = tpu.sort %masked_sort3A_307, %add3A_303 masked %masked_sort3A_304 : (vector<16xi32>, vector<16xi32>, vector<16xi1>) -> (vector<16xi1>, vector<16xi32>, vector<16xi32>)
      %masked_sort3A_311 = arith.xori %masked_sort3A_309, %masked_sort3A_306 : vector<16xi32>
      %jit3A_312 = arith.constant 16 : i32
      %eq3A_313 = arith.constant 0 : i32
      %eq3A_314 = arith.cmpi eq, %jit3A_312, %eq3A_313 : i32
      %jit3A_315 = arith.constant 1 : i32
      %select_n3A_316 = arith.select %eq3A_314, %jit3A_315, %jit3A_312 : i32
      %rem3A_317 = vector.broadcast %select_n3A_316 : i32 to vector<16xi32>
      %rem3A_318 = arith.remsi %and3A_5, %rem3A_317 : vector<16xi32>
      %ne3A_319 = arith.constant 0 : i32
      %ne3A_320 = vector.broadcast %ne3A_319 : i32 to vector<16xi32>
      %ne3A_321 = arith.cmpi ne, %rem3A_318, %ne3A_320 : vector<16xi32>
      %lt3A_322 = arith.constant 0 : i32
      %lt3A_323 = vector.broadcast %lt3A_322 : i32 to vector<16xi32>
      %lt3A_324 = arith.cmpi slt, %rem3A_318, %lt3A_323 : vector<16xi32>
      %lt3A_325 = arith.constant 0 : i32
      %lt3A_326 = arith.cmpi slt, %select_n3A_316, %lt3A_325 : i32
      %ne3A_327 = vector.broadcast %lt3A_326 : i1 to vector<16xi1>
      %ne3A_328 = vector.broadcast %ne3A_327 : vector<16xi1> to vector<16xi1>
      %ne3A_329 = arith.xori %lt3A_324, %ne3A_328 : vector<16xi1>
      %and3A_330 = arith.andi %ne3A_329, %ne3A_321 : vector<16xi1>
      %add3A_331 = vector.broadcast %select_n3A_316 : i32 to vector<16xi32>
      %add3A_332 = arith.addi %rem3A_318, %add3A_331 : vector<16xi32>
      %select_n3A_333 = arith.select %and3A_330, %add3A_332, %rem3A_318 : vector<16xi1>, vector<16xi32>
      %broadcast_in_dim3A_334 = vector.shape_cast %select_n3A_333 : vector<16xi32> to vector<16x1xi32>
      %gather3A_335 = vector.shape_cast %broadcast_in_dim3A_334 : vector<16x1xi32> to vector<16xi32>
      %gather3A_336 = tpu.dynamic_gather %masked_sort3A_311[%gather3A_335] in [0] : vector<16xi32>, vector<16xi32> -> vector<16xi32>
      %shift_right_arithmetic3A_337 = arith.constant 4 : i32
      %shift_right_arithmetic3A_338 = vector.broadcast %shift_right_arithmetic3A_337 : i32 to vector<16xi32>
      %shift_right_arithmetic3A_339 = arith.shrsi %masked_sort3A_311, %shift_right_arithmetic3A_338 : vector<16xi32>
      %shift_right_arithmetic3A_340 = arith.constant 4 : i32
      %shift_right_arithmetic3A_341 = vector.broadcast %shift_right_arithmetic3A_340 : i32 to vector<16xi32>
      %shift_right_arithmetic3A_342 = arith.shrsi %gather3A_336, %shift_right_arithmetic3A_341 : vector<16xi32>
      %ne3A_343 = arith.cmpi ne, %shift_right_arithmetic3A_339, %shift_right_arithmetic3A_342 : vector<16xi32>
      %or3A_344 = arith.ori %ne3A_343, %eq3A_7 : vector<16xi1>
      %and3A_345 = arith.constant 15 : i32
      %and3A_346 = vector.broadcast %and3A_345 : i32 to vector<16xi32>
      %and3A_347 = arith.andi %masked_sort3A_311, %and3A_346 : vector<16xi32>
      %mul3A_348 = arith.constant 16 : i32
      %mul3A_349 = arith.muli %scan3A_295, %mul3A_348 : i32
      %add3A_350 = vector.broadcast %mul3A_349 : i32 to vector<16xi32>
      %add3A_351 = arith.addi %and3A_347, %add3A_350 : vector<16xi32>
      tpu.vector_store_idx %arg6[%shift_right_arithmetic3A_339], %add3A_351 masked %or3A_344 : memref<16384xi32, #tpu.memory_space<vmem>>[vector<16xi32>], vector<16xi32>, vector<16xi1>
      %scan3A_352 = arith.constant 5 : i32
      %scan3A_353 = arith.addi %scan3A_72, %scan3A_352 : i32
      %mul3A_354 = arith.constant 16 : i32
      %mul3A_355 = arith.muli %scan3A_353, %mul3A_354 : i32
      %get3A_356 = arith.index_cast %mul3A_355 : i32 to index
      %get3A_357 = tpu.vector_load %arg5[%get3A_356] {strides = array<i32>} : memref<4096xi32, #tpu.memory_space<vmem>>, vector<16xi32>,
      %mul3A_358 = arith.constant 16 : i32
      %mul3A_359 = vector.broadcast %mul3A_358 : i32 to vector<16xi32>
      %mul3A_360 = arith.muli %get3A_357, %mul3A_359 : vector<16xi32>
      %add3A_361 = arith.addi %mul3A_360, %iota3A : vector<16xi32>
      %masked_sort3A_362 = arith.constant dense<true> : vector<16xi1>
      %masked_sort3A_363 = arith.constant -2147483648 : i32
      %masked_sort3A_364 = vector.broadcast %masked_sort3A_363 : i32 to vector<16xi32>
      %masked_sort3A_365 = arith.xori %add3A_361, %masked_sort3A_364 : vector<16xi32>
      %masked_sort3A_366, %masked_sort3A_367, %masked_sort3A_368 = tpu.sort %masked_sort3A_365, %add3A_361 masked %masked_sort3A_362 : (vector<16xi32>, vector<16xi32>, vector<16xi1>) -> (vector<16xi1>, vector<16xi32>, vector<16xi32>)
      %masked_sort3A_369 = arith.xori %masked_sort3A_367, %masked_sort3A_364 : vector<16xi32>
      %jit3A_370 = arith.constant 16 : i32
      %eq3A_371 = arith.constant 0 : i32
      %eq3A_372 = arith.cmpi eq, %jit3A_370, %eq3A_371 : i32
      %jit3A_373 = arith.constant 1 : i32
      %select_n3A_374 = arith.select %eq3A_372, %jit3A_373, %jit3A_370 : i32
      %rem3A_375 = vector.broadcast %select_n3A_374 : i32 to vector<16xi32>
      %rem3A_376 = arith.remsi %and3A_5, %rem3A_375 : vector<16xi32>
      %ne3A_377 = arith.constant 0 : i32
      %ne3A_378 = vector.broadcast %ne3A_377 : i32 to vector<16xi32>
      %ne3A_379 = arith.cmpi ne, %rem3A_376, %ne3A_378 : vector<16xi32>
      %lt3A_380 = arith.constant 0 : i32
      %lt3A_381 = vector.broadcast %lt3A_380 : i32 to vector<16xi32>
      %lt3A_382 = arith.cmpi slt, %rem3A_376, %lt3A_381 : vector<16xi32>
      %lt3A_383 = arith.constant 0 : i32
      %lt3A_384 = arith.cmpi slt, %select_n3A_374, %lt3A_383 : i32
      %ne3A_385 = vector.broadcast %lt3A_384 : i1 to vector<16xi1>
      %ne3A_386 = vector.broadcast %ne3A_385 : vector<16xi1> to vector<16xi1>
      %ne3A_387 = arith.xori %lt3A_382, %ne3A_386 : vector<16xi1>
      %and3A_388 = arith.andi %ne3A_387, %ne3A_379 : vector<16xi1>
      %add3A_389 = vector.broadcast %select_n3A_374 : i32 to vector<16xi32>
      %add3A_390 = arith.addi %rem3A_376, %add3A_389 : vector<16xi32>
      %select_n3A_391 = arith.select %and3A_388, %add3A_390, %rem3A_376 : vector<16xi1>, vector<16xi32>
      %broadcast_in_dim3A_392 = vector.shape_cast %select_n3A_391 : vector<16xi32> to vector<16x1xi32>
      %gather3A_393 = vector.shape_cast %broadcast_in_dim3A_392 : vector<16x1xi32> to vector<16xi32>
      %gather3A_394 = tpu.dynamic_gather %masked_sort3A_369[%gather3A_393] in [0] : vector<16xi32>, vector<16xi32> -> vector<16xi32>
      %shift_right_arithmetic3A_395 = arith.constant 4 : i32
      %shift_right_arithmetic3A_396 = vector.broadcast %shift_right_arithmetic3A_395 : i32 to vector<16xi32>
      %shift_right_arithmetic3A_397 = arith.shrsi %masked_sort3A_369, %shift_right_arithmetic3A_396 : vector<16xi32>
      %shift_right_arithmetic3A_398 = arith.constant 4 : i32
      %shift_right_arithmetic3A_399 = vector.broadcast %shift_right_arithmetic3A_398 : i32 to vector<16xi32>
      %shift_right_arithmetic3A_400 = arith.shrsi %gather3A_394, %shift_right_arithmetic3A_399 : vector<16xi32>
      %ne3A_401 = arith.cmpi ne, %shift_right_arithmetic3A_397, %shift_right_arithmetic3A_400 : vector<16xi32>
      %or3A_402 = arith.ori %ne3A_401, %eq3A_7 : vector<16xi1>
      %and3A_403 = arith.constant 15 : i32
      %and3A_404 = vector.broadcast %and3A_403 : i32 to vector<16xi32>
      %and3A_405 = arith.andi %masked_sort3A_369, %and3A_404 : vector<16xi32>
      %mul3A_406 = arith.constant 16 : i32
      %mul3A_407 = arith.muli %scan3A_353, %mul3A_406 : i32
      %add3A_408 = vector.broadcast %mul3A_407 : i32 to vector<16xi32>
      %add3A_409 = arith.addi %and3A_405, %add3A_408 : vector<16xi32>
      tpu.vector_store_idx %arg6[%shift_right_arithmetic3A_397], %add3A_409 masked %or3A_402 : memref<16384xi32, #tpu.memory_space<vmem>>[vector<16xi32>], vector<16xi32>, vector<16xi1>
      %scan3A_410 = arith.constant 6 : i32
      %scan3A_411 = arith.addi %scan3A_72, %scan3A_410 : i32
      %mul3A_412 = arith.constant 16 : i32
      %mul3A_413 = arith.muli %scan3A_411, %mul3A_412 : i32
      %get3A_414 = arith.index_cast %mul3A_413 : i32 to index
      %get3A_415 = tpu.vector_load %arg5[%get3A_414] {strides = array<i32>} : memref<4096xi32, #tpu.memory_space<vmem>>, vector<16xi32>,
      %mul3A_416 = arith.constant 16 : i32
      %mul3A_417 = vector.broadcast %mul3A_416 : i32 to vector<16xi32>
      %mul3A_418 = arith.muli %get3A_415, %mul3A_417 : vector<16xi32>
      %add3A_419 = arith.addi %mul3A_418, %iota3A : vector<16xi32>
      %masked_sort3A_420 = arith.constant dense<true> : vector<16xi1>
      %masked_sort3A_421 = arith.constant -2147483648 : i32
      %masked_sort3A_422 = vector.broadcast %masked_sort3A_421 : i32 to vector<16xi32>
      %masked_sort3A_423 = arith.xori %add3A_419, %masked_sort3A_422 : vector<16xi32>
      %masked_sort3A_424, %masked_sort3A_425, %masked_sort3A_426 = tpu.sort %masked_sort3A_423, %add3A_419 masked %masked_sort3A_420 : (vector<16xi32>, vector<16xi32>, vector<16xi1>) -> (vector<16xi1>, vector<16xi32>, vector<16xi32>)
      %masked_sort3A_427 = arith.xori %masked_sort3A_425, %masked_sort3A_422 : vector<16xi32>
      %jit3A_428 = arith.constant 16 : i32
      %eq3A_429 = arith.constant 0 : i32
      %eq3A_430 = arith.cmpi eq, %jit3A_428, %eq3A_429 : i32
      %jit3A_431 = arith.constant 1 : i32
      %select_n3A_432 = arith.select %eq3A_430, %jit3A_431, %jit3A_428 : i32
      %rem3A_433 = vector.broadcast %select_n3A_432 : i32 to vector<16xi32>
      %rem3A_434 = arith.remsi %and3A_5, %rem3A_433 : vector<16xi32>
      %ne3A_435 = arith.constant 0 : i32
      %ne3A_436 = vector.broadcast %ne3A_435 : i32 to vector<16xi32>
      %ne3A_437 = arith.cmpi ne, %rem3A_434, %ne3A_436 : vector<16xi32>
      %lt3A_438 = arith.constant 0 : i32
      %lt3A_439 = vector.broadcast %lt3A_438 : i32 to vector<16xi32>
      %lt3A_440 = arith.cmpi slt, %rem3A_434, %lt3A_439 : vector<16xi32>
      %lt3A_441 = arith.constant 0 : i32
      %lt3A_442 = arith.cmpi slt, %select_n3A_432, %lt3A_441 : i32
      %ne3A_443 = vector.broadcast %lt3A_442 : i1 to vector<16xi1>
      %ne3A_444 = vector.broadcast %ne3A_443 : vector<16xi1> to vector<16xi1>
      %ne3A_445 = arith.xori %lt3A_440, %ne3A_444 : vector<16xi1>
      %and3A_446 = arith.andi %ne3A_445, %ne3A_437 : vector<16xi1>
      %add3A_447 = vector.broadcast %select_n3A_432 : i32 to vector<16xi32>
      %add3A_448 = arith.addi %rem3A_434, %add3A_447 : vector<16xi32>
      %select_n3A_449 = arith.select %and3A_446, %add3A_448, %rem3A_434 : vector<16xi1>, vector<16xi32>
      %broadcast_in_dim3A_450 = vector.shape_cast %select_n3A_449 : vector<16xi32> to vector<16x1xi32>
      %gather3A_451 = vector.shape_cast %broadcast_in_dim3A_450 : vector<16x1xi32> to vector<16xi32>
      %gather3A_452 = tpu.dynamic_gather %masked_sort3A_427[%gather3A_451] in [0] : vector<16xi32>, vector<16xi32> -> vector<16xi32>
      %shift_right_arithmetic3A_453 = arith.constant 4 : i32
      %shift_right_arithmetic3A_454 = vector.broadcast %shift_right_arithmetic3A_453 : i32 to vector<16xi32>
      %shift_right_arithmetic3A_455 = arith.shrsi %masked_sort3A_427, %shift_right_arithmetic3A_454 : vector<16xi32>
      %shift_right_arithmetic3A_456 = arith.constant 4 : i32
      %shift_right_arithmetic3A_457 = vector.broadcast %shift_right_arithmetic3A_456 : i32 to vector<16xi32>
      %shift_right_arithmetic3A_458 = arith.shrsi %gather3A_452, %shift_right_arithmetic3A_457 : vector<16xi32>
      %ne3A_459 = arith.cmpi ne, %shift_right_arithmetic3A_455, %shift_right_arithmetic3A_458 : vector<16xi32>
      %or3A_460 = arith.ori %ne3A_459, %eq3A_7 : vector<16xi1>
      %and3A_461 = arith.constant 15 : i32
      %and3A_462 = vector.broadcast %and3A_461 : i32 to vector<16xi32>
      %and3A_463 = arith.andi %masked_sort3A_427, %and3A_462 : vector<16xi32>
      %mul3A_464 = arith.constant 16 : i32
      %mul3A_465 = arith.muli %scan3A_411, %mul3A_464 : i32
      %add3A_466 = vector.broadcast %mul3A_465 : i32 to vector<16xi32>
      %add3A_467 = arith.addi %and3A_463, %add3A_466 : vector<16xi32>
      tpu.vector_store_idx %arg6[%shift_right_arithmetic3A_455], %add3A_467 masked %or3A_460 : memref<16384xi32, #tpu.memory_space<vmem>>[vector<16xi32>], vector<16xi32>, vector<16xi1>
      %scan3A_468 = arith.constant 7 : i32
      %scan3A_469 = arith.addi %scan3A_72, %scan3A_468 : i32
      %mul3A_470 = arith.constant 16 : i32
      %mul3A_471 = arith.muli %scan3A_469, %mul3A_470 : i32
      %get3A_472 = arith.index_cast %mul3A_471 : i32 to index
      %get3A_473 = tpu.vector_load %arg5[%get3A_472] {strides = array<i32>} : memref<4096xi32, #tpu.memory_space<vmem>>, vector<16xi32>,
      %mul3A_474 = arith.constant 16 : i32
      %mul3A_475 = vector.broadcast %mul3A_474 : i32 to vector<16xi32>
      %mul3A_476 = arith.muli %get3A_473, %mul3A_475 : vector<16xi32>
      %add3A_477 = arith.addi %mul3A_476, %iota3A : vector<16xi32>
      %masked_sort3A_478 = arith.constant dense<true> : vector<16xi1>
      %masked_sort3A_479 = arith.constant -2147483648 : i32
      %masked_sort3A_480 = vector.broadcast %masked_sort3A_479 : i32 to vector<16xi32>
      %masked_sort3A_481 = arith.xori %add3A_477, %masked_sort3A_480 : vector<16xi32>
      %masked_sort3A_482, %masked_sort3A_483, %masked_sort3A_484 = tpu.sort %masked_sort3A_481, %add3A_477 masked %masked_sort3A_478 : (vector<16xi32>, vector<16xi32>, vector<16xi1>) -> (vector<16xi1>, vector<16xi32>, vector<16xi32>)
      %masked_sort3A_485 = arith.xori %masked_sort3A_483, %masked_sort3A_480 : vector<16xi32>
      %jit3A_486 = arith.constant 16 : i32
      %eq3A_487 = arith.constant 0 : i32
      %eq3A_488 = arith.cmpi eq, %jit3A_486, %eq3A_487 : i32
      %jit3A_489 = arith.constant 1 : i32
      %select_n3A_490 = arith.select %eq3A_488, %jit3A_489, %jit3A_486 : i32
      %rem3A_491 = vector.broadcast %select_n3A_490 : i32 to vector<16xi32>
      %rem3A_492 = arith.remsi %and3A_5, %rem3A_491 : vector<16xi32>
      %ne3A_493 = arith.constant 0 : i32
      %ne3A_494 = vector.broadcast %ne3A_493 : i32 to vector<16xi32>
      %ne3A_495 = arith.cmpi ne, %rem3A_492, %ne3A_494 : vector<16xi32>
      %lt3A_496 = arith.constant 0 : i32
      %lt3A_497 = vector.broadcast %lt3A_496 : i32 to vector<16xi32>
      %lt3A_498 = arith.cmpi slt, %rem3A_492, %lt3A_497 : vector<16xi32>
      %lt3A_499 = arith.constant 0 : i32
      %lt3A_500 = arith.cmpi slt, %select_n3A_490, %lt3A_499 : i32
      %ne3A_501 = vector.broadcast %lt3A_500 : i1 to vector<16xi1>
      %ne3A_502 = vector.broadcast %ne3A_501 : vector<16xi1> to vector<16xi1>
      %ne3A_503 = arith.xori %lt3A_498, %ne3A_502 : vector<16xi1>
      %and3A_504 = arith.andi %ne3A_503, %ne3A_495 : vector<16xi1>
      %add3A_505 = vector.broadcast %select_n3A_490 : i32 to vector<16xi32>
      %add3A_506 = arith.addi %rem3A_492, %add3A_505 : vector<16xi32>
      %select_n3A_507 = arith.select %and3A_504, %add3A_506, %rem3A_492 : vector<16xi1>, vector<16xi32>
      %broadcast_in_dim3A_508 = vector.shape_cast %select_n3A_507 : vector<16xi32> to vector<16x1xi32>
      %gather3A_509 = vector.shape_cast %broadcast_in_dim3A_508 : vector<16x1xi32> to vector<16xi32>
      %gather3A_510 = tpu.dynamic_gather %masked_sort3A_485[%gather3A_509] in [0] : vector<16xi32>, vector<16xi32> -> vector<16xi32>
      %shift_right_arithmetic3A_511 = arith.constant 4 : i32
      %shift_right_arithmetic3A_512 = vector.broadcast %shift_right_arithmetic3A_511 : i32 to vector<16xi32>
      %shift_right_arithmetic3A_513 = arith.shrsi %masked_sort3A_485, %shift_right_arithmetic3A_512 : vector<16xi32>
      %shift_right_arithmetic3A_514 = arith.constant 4 : i32
      %shift_right_arithmetic3A_515 = vector.broadcast %shift_right_arithmetic3A_514 : i32 to vector<16xi32>
      %shift_right_arithmetic3A_516 = arith.shrsi %gather3A_510, %shift_right_arithmetic3A_515 : vector<16xi32>
      %ne3A_517 = arith.cmpi ne, %shift_right_arithmetic3A_513, %shift_right_arithmetic3A_516 : vector<16xi32>
      %or3A_518 = arith.ori %ne3A_517, %eq3A_7 : vector<16xi1>
      %and3A_519 = arith.constant 15 : i32
      %and3A_520 = vector.broadcast %and3A_519 : i32 to vector<16xi32>
      %and3A_521 = arith.andi %masked_sort3A_485, %and3A_520 : vector<16xi32>
      %mul3A_522 = arith.constant 16 : i32
      %mul3A_523 = arith.muli %scan3A_469, %mul3A_522 : i32
      %add3A_524 = vector.broadcast %mul3A_523 : i32 to vector<16xi32>
      %add3A_525 = arith.addi %and3A_521, %add3A_524 : vector<16xi32>
      tpu.vector_store_idx %arg6[%shift_right_arithmetic3A_513], %add3A_525 masked %or3A_518 : memref<16384xi32, #tpu.memory_space<vmem>>[vector<16xi32>], vector<16xi32>, vector<16xi1>
    }
    %scan3A_12 = arith.constant 256 : i32
    %mul3A_13 = arith.constant 128 : i32
    %mul3A_14 = arith.muli %add3A, %mul3A_13 : i32
    %add3A_15 = arith.constant 0 : i32
    %add3A_16 = arith.addi %mul3A_14, %add3A_15 : i32
    %get3A = arith.index_cast %add3A_16 : i32 to index
    %get3A_17 = tpu.vector_load %arg5[%get3A] {strides = array<i32>} : memref<4096xi32, #tpu.memory_space<vmem>>, vector<16xi32>,
    %gather3A = tpu.vector_load_idx %arg6[%get3A_17] : memref<16384xi32, #tpu.memory_space<vmem>>[vector<16xi32>], vector<16xi32>,
    %swap3A = arith.constant 0 : index
    %swap3A_18 = tpu.vector_load %arg7[%swap3A] {strides = array<i32>} : memref<128xi32, #tpu.memory_space<vmem>>, vector<16xi32>,
    tpu.vector_store %arg7[%swap3A], %gather3A {strides = array<i32>} : memref<128xi32, #tpu.memory_space<vmem>>, vector<16xi32>,
    %add3A_19 = arith.constant 16 : i32
    %add3A_20 = arith.addi %mul3A_14, %add3A_19 : i32
    %get3A_21 = arith.index_cast %add3A_20 : i32 to index
    %get3A_22 = tpu.vector_load %arg5[%get3A_21] {strides = array<i32>} : memref<4096xi32, #tpu.memory_space<vmem>>, vector<16xi32>,
    %gather3A_23 = tpu.vector_load_idx %arg6[%get3A_22] : memref<16384xi32, #tpu.memory_space<vmem>>[vector<16xi32>], vector<16xi32>,
    %swap3A_24 = arith.constant 16 : index
    %swap3A_25 = tpu.vector_load %arg7[%swap3A_24] {strides = array<i32>} : memref<128xi32, #tpu.memory_space<vmem>>, vector<16xi32>,
    tpu.vector_store %arg7[%swap3A_24], %gather3A_23 {strides = array<i32>} : memref<128xi32, #tpu.memory_space<vmem>>, vector<16xi32>,
    %add3A_26 = arith.constant 32 : i32
    %add3A_27 = arith.addi %mul3A_14, %add3A_26 : i32
    %get3A_28 = arith.index_cast %add3A_27 : i32 to index
    %get3A_29 = tpu.vector_load %arg5[%get3A_28] {strides = array<i32>} : memref<4096xi32, #tpu.memory_space<vmem>>, vector<16xi32>,
    %gather3A_30 = tpu.vector_load_idx %arg6[%get3A_29] : memref<16384xi32, #tpu.memory_space<vmem>>[vector<16xi32>], vector<16xi32>,
    %swap3A_31 = arith.constant 32 : index
    %swap3A_32 = tpu.vector_load %arg7[%swap3A_31] {strides = array<i32>} : memref<128xi32, #tpu.memory_space<vmem>>, vector<16xi32>,
    tpu.vector_store %arg7[%swap3A_31], %gather3A_30 {strides = array<i32>} : memref<128xi32, #tpu.memory_space<vmem>>, vector<16xi32>,
    %add3A_33 = arith.constant 48 : i32
    %add3A_34 = arith.addi %mul3A_14, %add3A_33 : i32
    %get3A_35 = arith.index_cast %add3A_34 : i32 to index
    %get3A_36 = tpu.vector_load %arg5[%get3A_35] {strides = array<i32>} : memref<4096xi32, #tpu.memory_space<vmem>>, vector<16xi32>,
    %gather3A_37 = tpu.vector_load_idx %arg6[%get3A_36] : memref<16384xi32, #tpu.memory_space<vmem>>[vector<16xi32>], vector<16xi32>,
    %swap3A_38 = arith.constant 48 : index
    %swap3A_39 = tpu.vector_load %arg7[%swap3A_38] {strides = array<i32>} : memref<128xi32, #tpu.memory_space<vmem>>, vector<16xi32>,
    tpu.vector_store %arg7[%swap3A_38], %gather3A_37 {strides = array<i32>} : memref<128xi32, #tpu.memory_space<vmem>>, vector<16xi32>,
    %add3A_40 = arith.constant 64 : i32
    %add3A_41 = arith.addi %mul3A_14, %add3A_40 : i32
    %get3A_42 = arith.index_cast %add3A_41 : i32 to index
    %get3A_43 = tpu.vector_load %arg5[%get3A_42] {strides = array<i32>} : memref<4096xi32, #tpu.memory_space<vmem>>, vector<16xi32>,
    %gather3A_44 = tpu.vector_load_idx %arg6[%get3A_43] : memref<16384xi32, #tpu.memory_space<vmem>>[vector<16xi32>], vector<16xi32>,
    %swap3A_45 = arith.constant 64 : index
    %swap3A_46 = tpu.vector_load %arg7[%swap3A_45] {strides = array<i32>} : memref<128xi32, #tpu.memory_space<vmem>>, vector<16xi32>,
    tpu.vector_store %arg7[%swap3A_45], %gather3A_44 {strides = array<i32>} : memref<128xi32, #tpu.memory_space<vmem>>, vector<16xi32>,
    %add3A_47 = arith.constant 80 : i32
    %add3A_48 = arith.addi %mul3A_14, %add3A_47 : i32
    %get3A_49 = arith.index_cast %add3A_48 : i32 to index
    %get3A_50 = tpu.vector_load %arg5[%get3A_49] {strides = array<i32>} : memref<4096xi32, #tpu.memory_space<vmem>>, vector<16xi32>,
    %gather3A_51 = tpu.vector_load_idx %arg6[%get3A_50] : memref<16384xi32, #tpu.memory_space<vmem>>[vector<16xi32>], vector<16xi32>,
    %swap3A_52 = arith.constant 80 : index
    %swap3A_53 = tpu.vector_load %arg7[%swap3A_52] {strides = array<i32>} : memref<128xi32, #tpu.memory_space<vmem>>, vector<16xi32>,
    tpu.vector_store %arg7[%swap3A_52], %gather3A_51 {strides = array<i32>} : memref<128xi32, #tpu.memory_space<vmem>>, vector<16xi32>,
    %add3A_54 = arith.constant 96 : i32
    %add3A_55 = arith.addi %mul3A_14, %add3A_54 : i32
    %get3A_56 = arith.index_cast %add3A_55 : i32 to index
    %get3A_57 = tpu.vector_load %arg5[%get3A_56] {strides = array<i32>} : memref<4096xi32, #tpu.memory_space<vmem>>, vector<16xi32>,
    %gather3A_58 = tpu.vector_load_idx %arg6[%get3A_57] : memref<16384xi32, #tpu.memory_space<vmem>>[vector<16xi32>], vector<16xi32>,
    %swap3A_59 = arith.constant 96 : index
    %swap3A_60 = tpu.vector_load %arg7[%swap3A_59] {strides = array<i32>} : memref<128xi32, #tpu.memory_space<vmem>>, vector<16xi32>,
    tpu.vector_store %arg7[%swap3A_59], %gather3A_58 {strides = array<i32>} : memref<128xi32, #tpu.memory_space<vmem>>, vector<16xi32>,
    %add3A_61 = arith.constant 112 : i32
    %add3A_62 = arith.addi %mul3A_14, %add3A_61 : i32
    %get3A_63 = arith.index_cast %add3A_62 : i32 to index
    %get3A_64 = tpu.vector_load %arg5[%get3A_63] {strides = array<i32>} : memref<4096xi32, #tpu.memory_space<vmem>>, vector<16xi32>,
    %gather3A_65 = tpu.vector_load_idx %arg6[%get3A_64] : memref<16384xi32, #tpu.memory_space<vmem>>[vector<16xi32>], vector<16xi32>,
    %swap3A_66 = arith.constant 112 : index
    %swap3A_67 = tpu.vector_load %arg7[%swap3A_66] {strides = array<i32>} : memref<128xi32, #tpu.memory_space<vmem>>, vector<16xi32>,
    tpu.vector_store %arg7[%swap3A_66], %gather3A_65 {strides = array<i32>} : memref<128xi32, #tpu.memory_space<vmem>>, vector<16xi32>,
    %dma_start3A = arith.constant 0 : i32
    %dma_start3A_68 = arith.constant 0 : i32
    %dma_start3A_69 = tpu.memref_slice %arg3[%dma_start3A, %dma_start3A_68] : memref<4096x512xf32, #tpu.memory_space<hbm>> -> memref<4096x512xf32, #tpu.memory_space<hbm>>
    tpu.enqueue_indirect_dma source(%dma_start3A_69 : memref<4096x512xf32, #tpu.memory_space<hbm>>) target(%arg8 : memref<128x512xf32, #tpu.memory_space<vmem>>) offsets(%arg7 : memref<128xi32, #tpu.memory_space<vmem>>) semaphore(%arg9 : memref<!tpu.dma_semaphore, #tpu.memory_space<semaphore_mem>>)
    %dma_wait3A = arith.constant 0 : i32
    %dma_wait3A_70 = arith.constant 0 : i32
    %dma_wait3A_71 = tpu.memref_slice %arg3[%dma_wait3A, %dma_wait3A_70] : memref<4096x512xf32, #tpu.memory_space<hbm>> -> memref<4096x512xf32, #tpu.memory_space<hbm>>
    tpu.wait_indirect_dma semaphore(%arg9 : memref<!tpu.dma_semaphore, #tpu.memory_space<semaphore_mem>>) src(%dma_wait3A_71 : memref<4096x512xf32, #tpu.memory_space<hbm>>) dst(%arg8 : memref<128x512xf32, #tpu.memory_space<vmem>>)
    "tpu.region"() ({
      %run_scoped3A = tpu.sem_alloc : memref<!tpu.dma_semaphore, #tpu.memory_space<semaphore_mem>>
      %dma_start3A_72 = arith.constant 0 : i32
      %dma_start3A_73 = tpu.memref_slice %arg4[%mul3A_14, %dma_start3A_72] : memref<4096x512xf32, #tpu.memory_space<hbm>> -> memref<128x512xf32, #tpu.memory_space<hbm>>
      %dma_start3A_74 = arith.constant 0 : i32
      %dma_start3A_75 = tpu.memref_slice %arg4[%mul3A_14, %dma_start3A_74] : memref<4096x512xf32, #tpu.memory_space<hbm>> -> memref<128x512xf32, #tpu.memory_space<hbm>>
      tpu.enqueue_dma source(%arg8 : memref<128x512xf32, #tpu.memory_space<vmem>>) target(%dma_start3A_75 : memref<128x512xf32, #tpu.memory_space<hbm>>) target_semaphore(%run_scoped3A : memref<!tpu.dma_semaphore, #tpu.memory_space<semaphore_mem>>)
      %dma_wait3A_76 = arith.constant 0 : i32
      %dma_wait3A_77 = tpu.memref_slice %arg4[%mul3A_14, %dma_wait3A_76] : memref<4096x512xf32, #tpu.memory_space<hbm>> -> memref<128x512xf32, #tpu.memory_space<hbm>>
      %dma_wait3A_78 = arith.constant 0 : i32
      %dma_wait3A_79 = tpu.memref_slice %arg4[%mul3A_14, %dma_wait3A_78] : memref<4096x512xf32, #tpu.memory_space<hbm>> -> memref<128x512xf32, #tpu.memory_space<hbm>>
      tpu.wait_dma2 semaphore(%run_scoped3A : memref<!tpu.dma_semaphore, #tpu.memory_space<semaphore_mem>>) src(%arg8 : memref<128x512xf32, #tpu.memory_space<vmem>>) dst(%dma_wait3A_79 : memref<128x512xf32, #tpu.memory_space<hbm>>)
      tpu.yield
    }) : () -> ()
    return
  }
}

</mosaic_0001>

<sc_bundles>
// kernel: kernel.3.cloned.1.call-start
scs
__scs_entry_jumppad:
0x0: {  	(pc) =	sbr.rel $0x88, $3  }
0x1: {  	(tag) =	ssettag $0x0;
	lr =	simm.s32 $0x1  }
0x2: {  	[smem:$0x3F9F] =	sst lr;
	_ =	strace $0xD0000000  }
0x3: {  	_ = 	snop  }
0x4: {  	_ = 	snop  }
0x5: {  	_ = 	snop  }
0x6: {  	_ = 	snop  }
0x7: {  	_ = 	snop  }
__scs_overlays_trampoline_lowered:
0x8: {  	[smem:$0x3FAE] =	sst s0  }
0x9: {  	[smem:$0x3FAF] =	sst s1  }
0xa: {  	[smem:$0x3FB0] =	sst s2  }
0xb: {  	[smem:$0x3FB1] =	sst s3  }
0xc: {  	[smem:$0x3FB2] =	sst s4  }
0xd: {  	[smem:$0x3FB3] =	sst s5  }
0xe: {  	[smem:$0x3FB4] =	sst s6  }
0xf: {  	[smem:$0x3FB5] =	sst s7  }
0x10: {  	[smem:$0x3FB6] =	sst s8  }
0x11: {  	[smem:$0x3FB7] =	sst s9;
	s0 =	simm.s32 @!p0 $0x0  }
0x12: {  	s1 =	sld [smem:$0x3F9D];
	s0 =	simm.s32 @p0 $0x1  }
0x13: {  	[smem:$0x3FB8] =	sst s0;
	s0 =	simm.s32 @!p1 $0x0  }
0x14: {  	s2 =	sld [smem:$0x3F9C];
	s0 =	simm.s32 @p1 $0x1  }
0x15: {  	[smem:$0x3FB9] =	sst s0;
	s0 =	simm.s32 @!p2 $0x0  }
0x16: {  	s3 =	sld [smem:$0x3FDB];
	s0 =	simm.s32 @p2 $0x1  }
0x17: {  	s4 =	simm.s32 $0x1BF5;
	[smem:$0x3FBB] =	sst s0  }
0x18: {  	s0 =	sld [smem:$0x3F9E];
	_ =	swait.ge [sflag:s4], $0x0  }
0x19: {  	s7 =	sld [smem:$0x3F9F]  }
0x1a: {  	s8 =	sadd.s32 $0xFFFFE003, lr  }
0x1b: {  	s9 =	sadd.s32 $0xFFFFFEF7, lr;
	s5 =	simm.s32 $0xFFFFFFFF;
	p2 =	slt.u32 s8, $0xFFFFF086  }
0x1c: {  	p1 =	slt.u32 s9, $0xF7A;
	s5 =	simm.s32 @!p2 $0x0  }
0x1d: {  	s5 =	simm.s32 @p1 $0x1;
	p0 =	seq.s32 s7, s2  }
0x1e: {  	s7 =	smul.u32 @!p0 $0xF7A, s2;
	p2 =	seq.s32 @!p0 s5, $0x0  }
0x1f: {  	s9 =	smul.u32 $0xF7A, s1;
	s8 =	simm.s32 @!p0 $0x1BF5;
	p2 =	por !p2, p0  }
0x20: {  	[sflag:s8] =	ssyncset.s32 @!p0 $0xFFFFF086;
	s6 =	sadd.s32 @!p0 s3, s7;
	s7 =	simm.s32 @!p0 $0x108  }
0x21: {  	s3 =	sadd.s32 s3, s9;
	s6 =	sadd.s32 @!p0 $0x88, s6;
	s7 =	simm.s32 @p2 $0x1082  }
0x22: {  	[simem:s7], [sflag:s8] =	dma.local @!p0 [hbm:s6], $0xF7A  }
0x23: {  	s9 =	sor.u32 $0xD0000000, s2;
	s6 =	simm.s32 $0x108;
	_ =	swait.ge @!p0 [sflag:s8], $0x0  }
0x24: {  	s3 =	sadd.s32 $0x88, s3;
	s6 =	simm.s32 @!p1 $0x1082;
	[sflag:s4] =	ssyncset.s32 $0xFFFFF086  }
0x25: {  	[simem:s6], [sflag:s4] =	dma.local [hbm:s3], $0xF7A  }
0x26: {  	[smem:$0x3F9F] =	sst s1;
	(tag) =	ssettag s2;
	_ =	strace s9  }
0x27: {  	s1 =	sld [smem:$0x3FAF]  }
0x28: {  	s2 =	sld [smem:$0x3FB0]  }
0x29: {  	s4 =	sld [smem:$0x3FB2]  }
0x2a: {  	p0 =	seq.s32 s5, $0x0;
	s5 =	sld [smem:$0x3FB3]  }
0x2b: {  	s6 =	sld [smem:$0x3FB4]  }
0x2c: {  	s7 =	sld [smem:$0x3FB5]  }
0x2d: {  	s3 =	simm.s32 $0x108;
	s8 =	sld [smem:$0x3FB6]  }
0x2e: {  	s3 =	simm.s32 @!p0 $0x1082;
	s9 =	sld [smem:$0x3FB7]  }
0x2f: {  	lr =	sadd.s32 s0, s3;
	s0 =	sld [smem:$0x3FAE]  }
0x30: {  	s3 =	sld [smem:$0x3FB1]  }
0x31: {  	[smem:$0x3FBA] =	sst s10  }
0x32: {  	s10 =	sld [smem:$0x3FB8];
	_ =	sdelay $0x3  }
0x33: {  	p0 =	seq.s32 s10, $0x1;
	s10 =	sld [smem:$0x3FBA];
	_ =	sdelay $0x3  }
0x34: {  	[smem:$0x3FBA] =	sst s10  }
0x35: {  	s10 =	sld [smem:$0x3FB9];
	_ =	sdelay $0x3  }
0x36: {  	p1 =	seq.s32 s10, $0x1;
	s10 =	sld [smem:$0x3FBA];
	_ =	sdelay $0x3  }
0x37: {  	[smem:$0x3FBA] =	sst s10  }
0x38: {  	s10 =	sld [smem:$0x3FBB]  }
0x39: {  	_ = 	snop;
	(pc) =	sbr.ind lr, $3  }
0x3a: {  	_ = 	snop  }
0x3b: {  	_ = 	snop  }
0x3c: {  	p2 =	seq.s32 s10, $0x1;
	s10 =	sld [smem:$0x3FBA]  }
0x3d: {  	_ =	shalt  }
0x3e: {  	_ =	shalt  }
0x3f: {  	_ =	shalt  }
0x40: {  	_ =	shalt  }
0x41: {  	_ =	shalt  }
0x42: {  	_ =	shalt  }
0x43: {  	_ =	shalt  }
0x44: {  	_ =	shalt  }
0x45: {  	_ =	shalt  }
0x46: {  	_ =	shalt  }
0x47: {  	_ =	shalt  }
0x48: {  	_ =	shalt  }
0x49: {  	_ =	shalt  }
0x4a: {  	_ =	shalt  }
0x4b: {  	_ =	shalt  }
0x4c: {  	_ =	shalt  }
0x4d: {  	_ =	shalt  }
0x4e: {  	_ =	shalt  }
0x4f: {  	_ =	shalt  }
0x50: {  	_ =	shalt  }
0x51: {  	_ =	shalt  }
0x52: {  	_ =	shalt  }
0x53: {  	_ =	shalt  }
0x54: {  	_ =	shalt  }
0x55: {  	_ =	shalt  }
0x56: {  	_ =	shalt  }
0x57: {  	_ =	shalt  }
0x58: {  	_ =	shalt  }
0x59: {  	_ =	shalt  }
0x5a: {  	_ =	shalt  }
0x5b: {  	_ =	shalt  }
0x5c: {  	_ =	shalt  }
0x5d: {  	_ =	shalt  }
0x5e: {  	_ =	shalt  }
0x5f: {  	_ =	shalt  }
0x60: {  	_ =	shalt  }
0x61: {  	_ =	shalt  }
0x62: {  	_ =	shalt  }
0x63: {  	_ =	shalt  }
0x64: {  	_ =	shalt  }
0x65: {  	_ =	shalt  }
0x66: {  	_ =	shalt  }
0x67: {  	_ =	shalt  }
0x68: {  	_ =	shalt  }
0x69: {  	_ =	shalt  }
0x6a: {  	_ =	shalt  }
0x6b: {  	_ =	shalt  }
0x6c: {  	_ =	shalt  }
0x6d: {  	_ =	shalt  }
0x6e: {  	_ =	shalt  }
0x6f: {  	_ =	shalt  }
0x70: {  	_ =	shalt  }
0x71: {  	_ =	shalt  }
0x72: {  	_ =	shalt  }
0x73: {  	_ =	shalt  }
0x74: {  	_ =	shalt  }
0x75: {  	_ =	shalt  }
0x76: {  	_ =	shalt  }
0x77: {  	_ =	shalt  }
0x78: {  	_ =	shalt  }
0x79: {  	_ =	shalt  }
0x7a: {  	_ =	shalt  }
0x7b: {  	_ =	shalt  }
0x7c: {  	_ =	shalt  }
0x7d: {  	_ =	shalt  }
0x7e: {  	_ =	shalt  }
0x7f: {  	_ =	shalt  }
0x80: {  	_ =	shalt  }
0x81: {  	_ =	shalt  }
0x82: {  	_ =	shalt  }
0x83: {  	_ =	shalt  }
0x84: {  	_ =	shalt  }
0x85: {  	_ =	shalt  }
0x86: {  	_ =	shalt  }
0x87: {  	_ =	shalt  }
.Lfunc_end0:
.L_simem_size_0:
called_computation_lowered:
.L_overlay_start_0:
0x88: {  	s2 =	sld [smem:$0x3FD9]  }
0x89: {  	s3 =	sld [smem:$0x3FFE];
	_ =	sdelay $0x1  }
0x8a: {  	s1 =	srdreg.scid  }
0x8b: {  	s0 =	sand.u32 $0x1, s1  }
0x8c: {  	s18 =	sshll.u32 s0, $0xA;
	s2 =	sadd.s32 s3, s2  }
0x8d: {  	s2 =	sadd.s32 s2, s18  }
0x8e: {  	[smem:$0x3FC6] =	sst s2  }
0x8f: {  	_ = 	snop  }
0x90: {  	s2 =	sld [smem:$0x3FC9]  }
0x91: {  	s19 =	sld [smem:$0x3FC8]  }
0x92: {  	s4 =	sld [smem:$0x3FD0];
	(tm) =	ssettm $0x1  }
0x93: {  	s5 =	sld [smem:$0x3FFB];
	_ =	sdelay $0x3  }
0x94: {  	_ =	strace s5  }
0x95: {  	s5 =	sld [smem:$0x3FFC];
	_ =	sdelay $0x3  }
0x96: {  	_ =	strace s5  }
0x97: {  	s5 =	sld [smem:$0x3FFD];
	_ =	sdelay $0x3  }
0x98: {  	_ =	strace s5  }
0x99: {  	_ =	strace $0x8FFFFFFF  }
0x9a: {  	s20 =	sld [smem:$0x3FDB];
	_ =	sdelay $0x1  }
0x9b: {  	s6 =	simm.s32 $_scs_section_size  }
0x9c: {  	s7 =	simm.s32 $_size__tile_overlayer_lowered;
	s8 =	simm.s32 $_tile_overlayer_lowered  }
0x9d: {  	s23 =	simm.s32 $0x1BFF;
	s22 =	sshll.u32 s8, $0x1;
	s5 =	sadd.s32 s6, s20  }
0x9e: {  	s9 =	simm.s32 $0x0;
	s21 =	sshll.u32 s7, $0x1;
	s7 =	sadd.s32 s22, s5  }
0x9f: {  	[timem:s9], [sflag:s23] =	dma.local [hbm:s7], s21  }
0xa0: {  	_ =	swait.ge [sflag:s23], s21  }
0xa1: {  	s6 =	ssub.s32 $0x0, s21;
	[sflag:s23] =	ssyncset.done $0x0  }
0xa2: {  	[sflag:s23] =	ssyncadd.s32 s6;
	_ =	sdelay $0x1  }
0xa3: {  	s24 =	simm.s32 $0x1B8B  }
0xa4: {  	_ =	swait.ge [sflag:s24], $0x1  }
0xa5: {  	[sflag:s24] =	ssyncset.done $0x0  }
0xa6: {  	s25 =	simm.s32 $0x1B8E;
	[sflag:s24] =	ssyncadd.s32 $0xFFFFFFFF  }
0xa7: {  	s26 =	simm.s32 $execute0_lowered;
	[smem:$0x3FD2] =	sst s25  }
0xa8: {  	s6 =	sshll.u32 s26, $0x1;
	_ =	strace $0x80000046;
	[dreg:$0x1] =	wrdreg $0xFFFFFFFF  }
0xa9: {  	s28 =	simm.s32 $_size_execute0_lowered;
	s5 =	sadd.s32 s5, s6;
	[dreg:$0x0] =	wrdreg $0x0  }
0xaa: {  	s6 =	sshll.u32 s28, $0x1;
	[dreg:$0x2] =	wrdreg s5  }
0xab: {  	[dreg:$0x3] =	wrdreg s6  }
0xac: {  	[dreg:$0x4] =	wrdreg $0xC0  }
0xad: {  	_ =	task [dreg:s9], $0x5FFFF  }
0xae: {  	[dreg:$0x1] =	wrdreg $0xFFFFFFFF  }
0xaf: {  	[dreg:$0x0] =	wrdreg $0x60  }
0xb0: {  	[dreg:$0x2] =	wrdreg s2  }
0xb1: {  	[dreg:$0x3] =	wrdreg s19  }
0xb2: {  	[dreg:$0x4] =	wrdreg s4  }
0xb3: {  	[dreg:$0x5] =	wrdreg $0x9  }
0xb4: {  	_ =	task.clear_ibuf [dreg:s9], $0x6FFFF;
	_ =	strace $0x90000046  }
0xb5: {  	s29 =	simm.s32 $0x9;
	_ =	strace $0x80000048  }
0xb6: {  	_ =	swait.ge [sflag:s29], $0x1  }
0xb7: {  	[sflag:s29] =	ssyncadd.s32 $0xFFFFFFFF  }
0xb8: {  	_ =	strace $0x90000048  }
0xb9: {  	_ =	sfence  }
0xba: {  	s30 =	sld [smem:$0x0];
	_ =	sdelay $0x2  }
0xbb: {  	s31 =	sshll.u32 s1, $0xD;
	s1 =	sshrl.u32 s1, $0x2  }
0xbc: {  	s3 =	sand.u32 $0x4000, s31;
	s1 =	sadd.s32 s1, s30  }
0xbd: {  	s0 =	sor.u32 s3, s0;
	s1 =	sshll.u32 s1, $0x11  }
0xbe: {  	s0 =	sor.u32 s1, s0  }
0xbf: {  	s0 =	sadd.s32 $0x8F2B, s0  }
0xc0: {  	[sflag:s0] =	ssyncadd.remote.s32 $0x1  }
0xc1: {  	_ =	sfence.sel $0xFFFF  }
0xc2: {  	[dreg:$0x0] =	wrdreg $0xFFFFFFFF;
	(pc) =	sbr.abs _section_cstart, $3  }
0xc3: {  	[dreg:$0x1] =	wrdreg $0xFFFFFFFF  }
0xc4: {  	_ =	task.clear_ibuf [dreg:s9], $0x2FFFF;
	_ =	strace $0x9FFFFFFF  }
0xc5: {  	(tm) =	ssettm $0x7FFFFFFF  }
tec
execute0_lowered:
.L_overlay_start_1:
0x0: {  	(tag) =	ssettag $0x1  }
0x1: {  	s2 =	rddreg [dreg:$0x1]  }
0x2: {  	s0 =	rddreg [dreg:$0x2];
	s1 =	srdreg.scid  }
0x3: {  	s4 =	simm.s32 $0x0;
	s5 =	stileid.u32;
	s9 =	simm.s32 $0x2  }
0x4: {  	s10 =	simm.s32 $0x1000;
	s11 =	simm.s32 $0x5080;
	s28 =	simm.s32 $0xD080  }
0x5: {  	s29 =	simm.s32 $0xD880;
	s30 =	simm.s32 $0xE080;
	s31 =	simm.s32 $0xE880  }
0x6: {  	v0 =	vimm.s32 $0xFEDCBA9;
	s12 =	simm.s32 $0x10880;
	s13 =	simm.s32 $0x11080;
	s14 =	simm.s32 $0x11880  }
0x7: {  	v1 =	vimm.s32 $0x87654321;
	s15 =	simm.s32 $0x12080;
	s16 =	simm.s32 $0x12880;
	s17 =	simm.s32 $0x13080  }
0x8: {  	s18 =	simm.s32 $0x13880;
	s19 =	simm.s32 $0x14080;
	s20 =	simm.s32 $0x14880;
	v0 =	vunpack.c.l.s4.s8 v0;
	v1 =	vunpack.c.l.s4.s8 v1  }
0x9: {  	s21 =	simm.s32 $0x1;
	s22 =	simm.s32 $0x0;
	s1 =	sand.u32 $0x1, s1  }
0xa: {  	s5 =	sshll.u32 s5, $0x8;
	[smem:$0x7FF] =	sst s4;
	s3 =	ssub.s32 $0x2, s1;
	v0 =	vunpack.c.0.s8.s32 v0;
	v1 =	vunpack.c.0.s8.s32 v1  }
0xb: {  	s1 =	sshll.u32 s1, $0x7;
	_ =	strace $0x80000047;
	s6 =	sshrl.u32 s3, $0x1  }
0xc: {  	vm0 =	vcmask $0x3F3C;
	s5 =	sor.u32 s1, s5;
	s1 =	simm.s32 $0x10080;
	s25 =	ssub.s32 s3, s6;
	v1 =	vcombine.low v1, v0;
	v0 =	vlaneseq.u32  }
0xd: {  	vm1 =	vmmov $0xffff;
	s26 =	sshll.u32 s5, $0x6;
	s6 =	sadd.s32 $0x100, s2;
	s3 =	simm.s32 $0xF880;
	v3 =	vshrl.u32 v0, $0x3;
	v2 =	vand.u32 $0x7, v0  }
0xe: {  	s7 =	sadd.s32 s0, s26;
	s8 =	smax.u32 s25, $0x1;
	s0 =	simm.s32 $0xF080;
	v4 =	vor.u32 $0x8, v0;
	v1 =	vand.u32 $0xF, v1;
	v3 =	vmul.u32 $0x8, v3  }
.LBB2_1:
0xf: {  	s23 =	rddreg [dreg:$0x0]  }
0x10: {  	[tilespmem:s4], [sflag:$0x2] =	stream.linear.gather [hbm4b:s23+s4], $0x1000, $0x38;
	[tilespmem:$0x15080] =	vst v63  }
0x11: {  	_ =	swait.ge [sflag:s9], $0x1000  }
0x12: {  	s24 =	simm.s32 $0x70;
	[sflag:s9] =	ssyncset.done $0x0  }
0x13: {  	s25 =	simm.s32 $0x40;
	s23 =	simm.s32 $0xFFFFFFF8;
	[sflag:s9] =	ssyncadd.s32 $0xFFFFF000  }
.LBB2_2:
0x14: {  	v5 =	vld [tilespmem:s25+$0xFFFFFFC0];
	_ =	sdelay $0x4  }
0x15: {  	v5 =	vshll.u32 v5, $0x4  }
0x16: {  	v5 =	vor.u32 v0, v5  }
0x17: {  	v6 =	vxor.u32 $0x80000000, v5  }
0x18: {  	(xrf1) =	vsort.ascd.msk.u32 $0xffff, v6, v5;
	_ =	sdelay $0xd  }
0x19: {  	v5, _, _ =	vpop (xrf1)  }
0x1a: {  	v6 =	vxor.u32 $0x80000000, v5  }
0x1b: {  	v7 =	vperm.xlane v6, v1;
	_ =	sdelay $0x1  }
0x1c: {  	v6 =	vshra.s32 v6, $0x4;
	v7 =	vshra.s32 v7, $0x4  }
0x1d: {  	vm2 =	vne.s32 v6, v7  }
0x1e: {  	vm2 =	vmor vm2, vm0;
	_ =	sdelay $0x3  }
0x1f: {  	s26 =	sadd.s32 $0xFFFFFF90, s24;
	v5 =	vand.u32 $0xF, v5  }
0x20: {  	v5 =	vor.u32 s26, v5  }
0x21: {  	[tilespmem:v6+s10+$0x0] =	vst.idx.msk vm2, v5  }
0x22: {  	v5 =	vld [tilespmem:s25+$0xFFFFFFD0];
	_ =	sdelay $0x4  }
0x23: {  	v5 =	vshll.u32 v5, $0x4  }
0x24: {  	v5 =	vor.u32 v0, v5  }
0x25: {  	v6 =	vxor.u32 $0x80000000, v5  }
0x26: {  	(xrf1) =	vsort.ascd.msk.u32 $0xffff, v6, v5;
	_ =	sdelay $0xd  }
0x27: {  	v5, _, _ =	vpop (xrf1)  }
0x28: {  	v6 =	vxor.u32 $0x80000000, v5  }
0x29: {  	v7 =	vperm.xlane v6, v1;
	_ =	sdelay $0x1  }
0x2a: {  	v6 =	vshra.s32 v6, $0x4;
	v7 =	vshra.s32 v7, $0x4  }
0x2b: {  	vm2 =	vne.s32 v6, v7  }
0x2c: {  	vm2 =	vmor vm2, vm0;
	_ =	sdelay $0x3  }
0x2d: {  	s26 =	sadd.s32 $0xFFFFFFA0, s24;
	v5 =	vand.u32 $0xF, v5  }
0x2e: {  	v5 =	vor.u32 s26, v5  }
0x2f: {  	[tilespmem:v6+s10+$0x0] =	vst.idx.msk vm2, v5  }
0x30: {  	v5 =	vld [tilespmem:s25+$0xFFFFFFE0];
	_ =	sdelay $0x4  }
0x31: {  	v5 =	vshll.u32 v5, $0x4  }
0x32: {  	v5 =	vor.u32 v0, v5  }
0x33: {  	v6 =	vxor.u32 $0x80000000, v5  }
0x34: {  	(xrf1) =	vsort.ascd.msk.u32 $0xffff, v6, v5;
	_ =	sdelay $0xd  }
0x35: {  	v5, _, _ =	vpop (xrf1)  }
0x36: {  	v6 =	vxor.u32 $0x80000000, v5  }
0x37: {  	v7 =	vperm.xlane v6, v1;
	_ =	sdelay $0x1  }
0x38: {  	v6 =	vshra.s32 v6, $0x4;
	v7 =	vshra.s32 v7, $0x4  }
0x39: {  	vm2 =	vne.s32 v6, v7  }
0x3a: {  	vm2 =	vmor vm2, vm0;
	_ =	sdelay $0x3  }
0x3b: {  	s26 =	sadd.s32 $0xFFFFFFB0, s24;
	v5 =	vand.u32 $0xF, v5  }
0x3c: {  	v5 =	vor.u32 s26, v5  }
0x3d: {  	[tilespmem:v6+s10+$0x0] =	vst.idx.msk vm2, v5  }
0x3e: {  	v5 =	vld [tilespmem:s25+$0xFFFFFFF0];
	_ =	sdelay $0x4  }
0x3f: {  	v5 =	vshll.u32 v5, $0x4  }
0x40: {  	v5 =	vor.u32 v0, v5  }
0x41: {  	v6 =	vxor.u32 $0x80000000, v5  }
0x42: {  	(xrf1) =	vsort.ascd.msk.u32 $0xffff, v6, v5;
	_ =	sdelay $0xd  }
0x43: {  	v5, _, _ =	vpop (xrf1)  }
0x44: {  	v6 =	vxor.u32 $0x80000000, v5  }
0x45: {  	v7 =	vperm.xlane v6, v1;
	_ =	sdelay $0x1  }
0x46: {  	v6 =	vshra.s32 v6, $0x4;
	v7 =	vshra.s32 v7, $0x4  }
0x47: {  	vm2 =	vne.s32 v6, v7  }
0x48: {  	vm2 =	vmor vm2, vm0;
	_ =	sdelay $0x3  }
0x49: {  	s26 =	sadd.s32 $0xFFFFFFC0, s24;
	v5 =	vand.u32 $0xF, v5  }
0x4a: {  	v5 =	vor.u32 s26, v5  }
0x4b: {  	[tilespmem:v6+s10+$0x0] =	vst.idx.msk vm2, v5  }
0x4c: {  	v5 =	vld [tilespmem:s25+$0x0];
	_ =	sdelay $0x4  }
0x4d: {  	v5 =	vshll.u32 v5, $0x4  }
0x4e: {  	v5 =	vor.u32 v0, v5  }
0x4f: {  	v6 =	vxor.u32 $0x80000000, v5  }
0x50: {  	(xrf1) =	vsort.ascd.msk.u32 $0xffff, v6, v5;
	_ =	sdelay $0xd  }
0x51: {  	v5, _, _ =	vpop (xrf1)  }
0x52: {  	v6 =	vxor.u32 $0x80000000, v5  }
0x53: {  	v7 =	vperm.xlane v6, v1;
	_ =	sdelay $0x1  }
0x54: {  	v6 =	vshra.s32 v6, $0x4;
	v7 =	vshra.s32 v7, $0x4  }
0x55: {  	vm2 =	vne.s32 v6, v7  }
0x56: {  	vm2 =	vmor vm2, vm0;
	_ =	sdelay $0x3  }
0x57: {  	s26 =	sadd.s32 $0xFFFFFFD0, s24;
	v5 =	vand.u32 $0xF, v5  }
0x58: {  	v5 =	vor.u32 s26, v5  }
0x59: {  	[tilespmem:v6+s10+$0x0] =	vst.idx.msk vm2, v5  }
0x5a: {  	v5 =	vld [tilespmem:s25+$0x10];
	_ =	sdelay $0x4  }
0x5b: {  	v5 =	vshll.u32 v5, $0x4  }
0x5c: {  	v5 =	vor.u32 v0, v5  }
0x5d: {  	v6 =	vxor.u32 $0x80000000, v5  }
0x5e: {  	(xrf1) =	vsort.ascd.msk.u32 $0xffff, v6, v5;
	_ =	sdelay $0xd  }
0x5f: {  	v5, _, _ =	vpop (xrf1)  }
0x60: {  	v6 =	vxor.u32 $0x80000000, v5  }
0x61: {  	v7 =	vperm.xlane v6, v1;
	_ =	sdelay $0x1  }
0x62: {  	v6 =	vshra.s32 v6, $0x4;
	v7 =	vshra.s32 v7, $0x4  }
0x63: {  	vm2 =	vne.s32 v6, v7  }
0x64: {  	vm2 =	vmor vm2, vm0;
	_ =	sdelay $0x3  }
0x65: {  	s26 =	sadd.s32 $0xFFFFFFE0, s24;
	v5 =	vand.u32 $0xF, v5  }
0x66: {  	v5 =	vor.u32 s26, v5  }
0x67: {  	[tilespmem:v6+s10+$0x0] =	vst.idx.msk vm2, v5  }
0x68: {  	v5 =	vld [tilespmem:s25+$0x20];
	_ =	sdelay $0x4  }
0x69: {  	v5 =	vshll.u32 v5, $0x4  }
0x6a: {  	v5 =	vor.u32 v0, v5  }
0x6b: {  	v6 =	vxor.u32 $0x80000000, v5  }
0x6c: {  	(xrf1) =	vsort.ascd.msk.u32 $0xffff, v6, v5;
	_ =	sdelay $0xd  }
0x6d: {  	v5, _, _ =	vpop (xrf1)  }
0x6e: {  	v6 =	vxor.u32 $0x80000000, v5  }
0x6f: {  	v7 =	vperm.xlane v6, v1;
	_ =	sdelay $0x1  }
0x70: {  	v6 =	vshra.s32 v6, $0x4;
	v7 =	vshra.s32 v7, $0x4  }
0x71: {  	vm2 =	vne.s32 v6, v7  }
0x72: {  	vm2 =	vmor vm2, vm0;
	_ =	sdelay $0x3  }
0x73: {  	s26 =	sadd.s32 $0xFFFFFFF0, s24;
	v5 =	vand.u32 $0xF, v5  }
0x74: {  	v5 =	vor.u32 s26, v5  }
0x75: {  	[tilespmem:v6+s10+$0x0] =	vst.idx.msk vm2, v5  }
0x76: {  	v5 =	vld [tilespmem:s25+$0x30];
	_ =	sdelay $0x4  }
0x77: {  	v5 =	vshll.u32 v5, $0x4  }
0x78: {  	v5 =	vor.u32 v0, v5  }
0x79: {  	v6 =	vxor.u32 $0x80000000, v5  }
0x7a: {  	(xrf1) =	vsort.ascd.msk.u32 $0xffff, v6, v5;
	_ =	sdelay $0xd  }
0x7b: {  	v5, _, _ =	vpop (xrf1)  }
0x7c: {  	v6 =	vxor.u32 $0x80000000, v5  }
0x7d: {  	v7 =	vperm.xlane v6, v1;
	_ =	sdelay $0x1  }
0x7e: {  	v6 =	vshra.s32 v6, $0x4;
	v7 =	vshra.s32 v7, $0x4  }
0x7f: {  	vm2 =	vne.s32 v6, v7  }
0x80: {  	s23 =	sadd.s32 $0x8, s23;
	vm2 =	vmor vm2, vm0  }
0x81: {  	p0 =	slt.u32 s23, $0xF8  }
.Ltmp0:
0x82: {  	_ = 	snop;
	(pc) =	sbr.rel @p0 .LBB2_2-.Ltmp0, $4  }
0x83: {  	_ = 	snop  }
0x84: {  	v5 =	vand.u32 $0xF, v5  }
0x85: {  	v5 =	vor.u32 s24, v5  }
0x86: {  	s25 =	sadd.s32 $0x80, s25;
	s24 =	sadd.s32 $0x80, s24;
	[tilespmem:v6+s10+$0x0] =	vst.idx.msk vm2, v5  }
0x87: {  	v5 =	vld [tilespmem:s5+$0x0];
	_ =	sdelay $0x7  }
0x88: {  	v5 =	vld.idx.msk [tilespmem:v5+s10+$0x0], $0xffff;
	_ =	sdelay $0x4  }
0x89: {  	[tilespmem:$0x5000] =	vst v5  }
0x8a: {  	v6 =	vld [tilespmem:s5+$0x10];
	_ =	sdelay $0x7  }
0x8b: {  	v6 =	vld.idx.msk [tilespmem:v6+s10+$0x0], $0xffff;
	_ =	sdelay $0x4  }
0x8c: {  	[tilespmem:$0x5010] =	vst v6  }
0x8d: {  	v6 =	vld [tilespmem:s5+$0x20];
	_ =	sdelay $0x7  }
0x8e: {  	v6 =	vld.idx.msk [tilespmem:v6+s10+$0x0], $0xffff;
	_ =	sdelay $0x4  }
0x8f: {  	[tilespmem:$0x5020] =	vst v6  }
0x90: {  	v6 =	vld [tilespmem:s5+$0x30];
	_ =	sdelay $0x7  }
0x91: {  	v6 =	vld.idx.msk [tilespmem:v6+s10+$0x0], $0xffff;
	_ =	sdelay $0x4  }
0x92: {  	[tilespmem:$0x5030] =	vst v6  }
0x93: {  	v6 =	vld [tilespmem:s5+$0x40];
	_ =	sdelay $0x7  }
0x94: {  	v6 =	vld.idx.msk [tilespmem:v6+s10+$0x0], $0xffff;
	_ =	sdelay $0x4  }
0x95: {  	[tilespmem:$0x5040] =	vst v6  }
0x96: {  	v6 =	vld [tilespmem:s5+$0x50];
	_ =	sdelay $0x7  }
0x97: {  	v6 =	vld.idx.msk [tilespmem:v6+s10+$0x0], $0xffff;
	_ =	sdelay $0x4  }
0x98: {  	[tilespmem:$0x5050] =	vst v6  }
0x99: {  	v6 =	vld [tilespmem:s5+$0x60];
	_ =	sdelay $0x7  }
0x9a: {  	v6 =	vld.idx.msk [tilespmem:v6+s10+$0x0], $0xffff;
	_ =	sdelay $0x4  }
0x9b: {  	[tilespmem:$0x5060] =	vst v6  }
0x9c: {  	v6 =	vld [tilespmem:s5+$0x70];
	_ =	sdelay $0x3  }
0x9d: {  	v7 =	vshll.u32 v5, $0x2  }
0x9e: {  	v5 =	vand.u32 $0x7, v5;
	v7 =	vand.u32 $0xFFFFFFE0, v7  }
0x9f: {  	v5 =	vor.u32 v5, v7  }
0xa0: {  	v7 =	vperm.xlane v5, v2  }
0xa1: {  	v6 =	vld.idx.msk [tilespmem:v6+s10+$0x0], $0xffff  }
0xa2: {  	v7 =	vadd.s32 v3, v7;
	_ =	sdelay $0x1  }
0xa3: {  	v5 =	vperm.xlane v5, v4;
	_ =	sdelay $0x1  }
0xa4: {  	v5 =	vadd.s32 v3, v5;
	[tilespmem:$0x5070] =	vst v6  }
0xa5: {  	[tilespmem:s11], [sflag:$0x1] =	stream.indirect_vreg.gather [hbm4b:s2+s4], $0x80, v7, vm1, $0xb8;
	[tilespmem:$0x15080] =	vst v63  }
0xa6: {  	s23 =	simm.s32 $0x5880  }
0xa7: {  	[tilespmem:s23], [sflag:$0x1] =	stream.indirect_vreg.gather [hbm4b:s6+s4], $0x80, v7, vm1, $0xb8;
	[tilespmem:$0x15080] =	vst v63  }
0xa8: {  	s25 =	simm.s32 $0x6080  }
0xa9: {  	[tilespmem:s25], [sflag:$0x1] =	stream.indirect_vreg.gather [hbm4b:s2+s4], $0x80, v5, vm1, $0xb8;
	[tilespmem:$0x15080] =	vst v63  }
0xaa: {  	s26 =	simm.s32 $0x6880  }
0xab: {  	[tilespmem:s26], [sflag:$0x1] =	stream.indirect_vreg.gather [hbm4b:s6+s4], $0x80, v5, vm1, $0xb8;
	[tilespmem:$0x15080] =	vst v63  }
0xac: {  	v5 =	vld [tilespmem:$0x5010];
	_ =	sdelay $0x4  }
0xad: {  	v6 =	vshll.u32 v5, $0x2  }
0xae: {  	v5 =	vand.u32 $0x7, v5;
	v6 =	vand.u32 $0xFFFFFFE0, v6  }
0xaf: {  	v5 =	vor.u32 v5, v6  }
0xb0: {  	v6 =	vperm.xlane v5, v2;
	_ =	sdelay $0x1  }
0xb1: {  	v6 =	vadd.s32 v3, v6;
	_ =	sdelay $0x1  }
0xb2: {  	v5 =	vperm.xlane v5, v4;
	_ =	sdelay $0x1  }
0xb3: {  	s24 =	simm.s32 $0x7080;
	v5 =	vadd.s32 v3, v5  }
0xb4: {  	[tilespmem:s24], [sflag:$0x1] =	stream.indirect_vreg.gather [hbm4b:s2+s4], $0x80, v6, vm1, $0xb8;
	[tilespmem:$0x15080] =	vst v63  }
0xb5: {  	s25 =	simm.s32 $0x7880  }
0xb6: {  	[tilespmem:s25], [sflag:$0x1] =	stream.indirect_vreg.gather [hbm4b:s6+s4], $0x80, v6, vm1, $0xb8;
	[tilespmem:$0x15080] =	vst v63  }
0xb7: {  	s26 =	simm.s32 $0x8080  }
0xb8: {  	[tilespmem:s26], [sflag:$0x1] =	stream.indirect_vreg.gather [hbm4b:s2+s4], $0x80, v5, vm1, $0xb8;
	[tilespmem:$0x15080] =	vst v63  }
0xb9: {  	s24 =	simm.s32 $0x8880  }
0xba: {  	[tilespmem:s24], [sflag:$0x1] =	stream.indirect_vreg.gather [hbm4b:s6+s4], $0x80, v5, vm1, $0xb8;
	[tilespmem:$0x15080] =	vst v63  }
0xbb: {  	v5 =	vld [tilespmem:$0x5020];
	_ =	sdelay $0x4  }
0xbc: {  	v6 =	vshll.u32 v5, $0x2  }
0xbd: {  	v5 =	vand.u32 $0x7, v5;
	v6 =	vand.u32 $0xFFFFFFE0, v6  }
0xbe: {  	v5 =	vor.u32 v5, v6  }
0xbf: {  	v6 =	vperm.xlane v5, v2;
	_ =	sdelay $0x1  }
0xc0: {  	v6 =	vadd.s32 v3, v6;
	_ =	sdelay $0x1  }
0xc1: {  	v5 =	vperm.xlane v5, v4;
	_ =	sdelay $0x1  }
0xc2: {  	s25 =	simm.s32 $0x9080;
	v5 =	vadd.s32 v3, v5  }
0xc3: {  	[tilespmem:s25], [sflag:$0x1] =	stream.indirect_vreg.gather [hbm4b:s2+s4], $0x80, v6, vm1, $0xb8;
	[tilespmem:$0x15080] =	vst v63  }
0xc4: {  	s26 =	simm.s32 $0x9880  }
0xc5: {  	[tilespmem:s26], [sflag:$0x1] =	stream.indirect_vreg.gather [hbm4b:s6+s4], $0x80, v6, vm1, $0xb8;
	[tilespmem:$0x15080] =	vst v63  }
0xc6: {  	s24 =	simm.s32 $0xA080  }
0xc7: {  	[tilespmem:s24], [sflag:$0x1] =	stream.indirect_vreg.gather [hbm4b:s2+s4], $0x80, v5, vm1, $0xb8;
	[tilespmem:$0x15080] =	vst v63  }
0xc8: {  	s25 =	simm.s32 $0xA880  }
0xc9: {  	[tilespmem:s25], [sflag:$0x1] =	stream.indirect_vreg.gather [hbm4b:s6+s4], $0x80, v5, vm1, $0xb8;
	[tilespmem:$0x15080] =	vst v63  }
0xca: {  	v5 =	vld [tilespmem:$0x5030];
	_ =	sdelay $0x4  }
0xcb: {  	v6 =	vshll.u32 v5, $0x2  }
0xcc: {  	v5 =	vand.u32 $0x7, v5;
	v6 =	vand.u32 $0xFFFFFFE0, v6  }
0xcd: {  	v5 =	vor.u32 v5, v6  }
0xce: {  	v6 =	vperm.xlane v5, v2;
	_ =	sdelay $0x1  }
0xcf: {  	v6 =	vadd.s32 v3, v6;
	_ =	sdelay $0x1  }
0xd0: {  	v5 =	vperm.xlane v5, v4;
	_ =	sdelay $0x1  }
0xd1: {  	s26 =	simm.s32 $0xB080;
	v5 =	vadd.s32 v3, v5  }
0xd2: {  	[tilespmem:s26], [sflag:$0x1] =	stream.indirect_vreg.gather [hbm4b:s2+s4], $0x80, v6, vm1, $0xb8;
	[tilespmem:$0x15080] =	vst v63  }
0xd3: {  	s24 =	simm.s32 $0xB880  }
0xd4: {  	[tilespmem:s24], [sflag:$0x1] =	stream.indirect_vreg.gather [hbm4b:s6+s4], $0x80, v6, vm1, $0xb8;
	[tilespmem:$0x15080] =	vst v63  }
0xd5: {  	s25 =	simm.s32 $0xC080  }
0xd6: {  	[tilespmem:s25], [sflag:$0x1] =	stream.indirect_vreg.gather [hbm4b:s2+s4], $0x80, v5, vm1, $0xb8;
	[tilespmem:$0x15080] =	vst v63  }
0xd7: {  	s26 =	simm.s32 $0xC880  }
0xd8: {  	[tilespmem:s26], [sflag:$0x1] =	stream.indirect_vreg.gather [hbm4b:s6+s4], $0x80, v5, vm1, $0xb8;
	[tilespmem:$0x15080] =	vst v63  }
0xd9: {  	v5 =	vld [tilespmem:$0x5040];
	_ =	sdelay $0x4  }
0xda: {  	v6 =	vshll.u32 v5, $0x2  }
0xdb: {  	v5 =	vand.u32 $0x7, v5;
	v6 =	vand.u32 $0xFFFFFFE0, v6  }
0xdc: {  	v5 =	vor.u32 v5, v6  }
0xdd: {  	v6 =	vperm.xlane v5, v2;
	_ =	sdelay $0x1  }
0xde: {  	v6 =	vadd.s32 v3, v6;
	_ =	sdelay $0x1  }
0xdf: {  	v5 =	vperm.xlane v5, v4;
	_ =	sdelay $0x1  }
0xe0: {  	v5 =	vadd.s32 v3, v5  }
0xe1: {  	[tilespmem:s28], [sflag:$0x1] =	stream.indirect_vreg.gather [hbm4b:s2+s4], $0x80, v6, vm1, $0xb8;
	[tilespmem:$0x15080] =	vst v63  }
0xe2: {  	_ = 	snop  }
0xe3: {  	[tilespmem:s29], [sflag:$0x1] =	stream.indirect_vreg.gather [hbm4b:s6+s4], $0x80, v6, vm1, $0xb8;
	[tilespmem:$0x15080] =	vst v63  }
0xe4: {  	_ = 	snop  }
0xe5: {  	[tilespmem:s30], [sflag:$0x1] =	stream.indirect_vreg.gather [hbm4b:s2+s4], $0x80, v5, vm1, $0xb8;
	[tilespmem:$0x15080] =	vst v63  }
0xe6: {  	_ = 	snop  }
0xe7: {  	[tilespmem:s31], [sflag:$0x1] =	stream.indirect_vreg.gather [hbm4b:s6+s4], $0x80, v5, vm1, $0xb8;
	[tilespmem:$0x15080] =	vst v63  }
0xe8: {  	v5 =	vld [tilespmem:$0x5050];
	_ =	sdelay $0x4  }
0xe9: {  	v6 =	vshll.u32 v5, $0x2  }
0xea: {  	v5 =	vand.u32 $0x7, v5;
	v6 =	vand.u32 $0xFFFFFFE0, v6  }
0xeb: {  	v5 =	vor.u32 v5, v6  }
0xec: {  	v6 =	vperm.xlane v5, v2;
	_ =	sdelay $0x1  }
0xed: {  	v6 =	vadd.s32 v3, v6;
	_ =	sdelay $0x1  }
0xee: {  	v5 =	vperm.xlane v5, v4;
	_ =	sdelay $0x1  }
0xef: {  	v5 =	vadd.s32 v3, v5  }
0xf0: {  	[tilespmem:s0], [sflag:$0x1] =	stream.indirect_vreg.gather [hbm4b:s2+s4], $0x80, v6, vm1, $0xb8;
	[tilespmem:$0x15080] =	vst v63  }
0xf1: {  	_ = 	snop  }
0xf2: {  	[tilespmem:s3], [sflag:$0x1] =	stream.indirect_vreg.gather [hbm4b:s6+s4], $0x80, v6, vm1, $0xb8;
	[tilespmem:$0x15080] =	vst v63  }
0xf3: {  	_ = 	snop  }
0xf4: {  	[tilespmem:s1], [sflag:$0x1] =	stream.indirect_vreg.gather [hbm4b:s2+s4], $0x80, v5, vm1, $0xb8;
	[tilespmem:$0x15080] =	vst v63  }
0xf5: {  	_ = 	snop  }
0xf6: {  	[tilespmem:s12], [sflag:$0x1] =	stream.indirect_vreg.gather [hbm4b:s6+s4], $0x80, v5, vm1, $0xb8;
	[tilespmem:$0x15080] =	vst v63  }
0xf7: {  	v5 =	vld [tilespmem:$0x5060];
	_ =	sdelay $0x4  }
0xf8: {  	v6 =	vshll.u32 v5, $0x2  }
0xf9: {  	v5 =	vand.u32 $0x7, v5;
	v6 =	vand.u32 $0xFFFFFFE0, v6  }
0xfa: {  	v5 =	vor.u32 v5, v6  }
0xfb: {  	v6 =	vperm.xlane v5, v2;
	_ =	sdelay $0x1  }
0xfc: {  	v6 =	vadd.s32 v3, v6;
	_ =	sdelay $0x1  }
0xfd: {  	v5 =	vperm.xlane v5, v4;
	_ =	sdelay $0x1  }
0xfe: {  	v5 =	vadd.s32 v3, v5  }
0xff: {  	[tilespmem:s13], [sflag:$0x1] =	stream.indirect_vreg.gather [hbm4b:s2+s4], $0x80, v6, vm1, $0xb8;
	[tilespmem:$0x15080] =	vst v63  }
0x100: {  	_ = 	snop  }
0x101: {  	[tilespmem:s14], [sflag:$0x1] =	stream.indirect_vreg.gather [hbm4b:s6+s4], $0x80, v6, vm1, $0xb8;
	[tilespmem:$0x15080] =	vst v63  }
0x102: {  	_ = 	snop  }
0x103: {  	[tilespmem:s15], [sflag:$0x1] =	stream.indirect_vreg.gather [hbm4b:s2+s4], $0x80, v5, vm1, $0xb8;
	[tilespmem:$0x15080] =	vst v63  }
0x104: {  	_ = 	snop  }
0x105: {  	[tilespmem:s16], [sflag:$0x1] =	stream.indirect_vreg.gather [hbm4b:s6+s4], $0x80, v5, vm1, $0xb8;
	[tilespmem:$0x15080] =	vst v63  }
0x106: {  	v5 =	vld [tilespmem:$0x5070];
	_ =	sdelay $0x4  }
0x107: {  	v6 =	vshll.u32 v5, $0x2  }
0x108: {  	v5 =	vand.u32 $0x7, v5;
	v6 =	vand.u32 $0xFFFFFFE0, v6  }
0x109: {  	v5 =	vor.u32 v5, v6  }
0x10a: {  	v6 =	vperm.xlane v5, v2;
	_ =	sdelay $0x1  }
0x10b: {  	v6 =	vadd.s32 v3, v6;
	_ =	sdelay $0x1  }
0x10c: {  	v5 =	vperm.xlane v5, v4;
	_ =	sdelay $0x1  }
0x10d: {  	v5 =	vadd.s32 v3, v5  }
0x10e: {  	[tilespmem:s17], [sflag:$0x1] =	stream.indirect_vreg.gather [hbm4b:s2+s4], $0x80, v6, vm1, $0xb8;
	[tilespmem:$0x15080] =	vst v63  }
0x10f: {  	_ = 	snop  }
0x110: {  	[tilespmem:s18], [sflag:$0x1] =	stream.indirect_vreg.gather [hbm4b:s6+s4], $0x80, v6, vm1, $0xb8;
	[tilespmem:$0x15080] =	vst v63  }
0x111: {  	_ = 	snop  }
0x112: {  	[tilespmem:s19], [sflag:$0x1] =	stream.indirect_vreg.gather [hbm4b:s2+s4], $0x80, v5, vm1, $0xb8;
	[tilespmem:$0x15080] =	vst v63  }
0x113: {  	_ = 	snop  }
0x114: {  	[tilespmem:s20], [sflag:$0x1] =	stream.indirect_vreg.gather [hbm4b:s6+s4], $0x80, v5, vm1, $0xb8;
	[tilespmem:$0x15080] =	vst v63  }
0x115: {  	s22 =	sadd.s32 $0x1, s22;
	_ =	swait.ge [sflag:s21], $0x10000  }
0x116: {  	p0 =	sne.s32 s22, s8;
	[sflag:s21] =	ssyncset.done $0x0  }
.Ltmp1:
0x117: {  	[sflag:s21] =	ssyncadd.s32 $0xFFFF0000;
	(pc) =	sbr.rel @p0 .LBB2_1-.Ltmp1, $4  }
0x118: {  	[hbm4b:s7+s4] =	stream.linear.scatter [tilespmem:s11], [sflag:$0x2], $0x10000, $0x38;
	[tilespmem:$0x15080] =	vst v63  }
0x119: {  	_ =	swait.ge [sflag:s9], $0x10000  }
0x11a: {  	[sflag:s9] =	ssyncset.done $0x0  }
0x11b: {  	[sflag:s9] =	ssyncadd.s32 $0xFFFF0000  }
0x11c: {  	_ =	sfence.sel $0x180000  }
0x11d: {  	[bflag:$0x0] =	sbarrier.arrive $0xFFFF  }
0x11e: {  	_ =	strace $0x90000047  }
0x11f: {  	s0 =	stileid.u32;
	[bflag:$0x2] =	sbarrier.arrive $0xFFFF  }
0x120: {  	p0 =	sne.s32 s0, $0x0;
	s0 =	rddreg [dreg:$0x3]  }
0x121: {  	s0 =	sadd.s32 @!p0 $0x100000, s0  }
0x122: {  	[sflag:s0] =	ssyncadd.tile.s32 @!p0 $0x1;
	_ =	shalt  }
.Lfunc_end2:
_tile_overlayer_lowered:
.L_overlay_start_2:
0x123: {  	(tag) =	ssettag $0x2  }
0x124: {  	s0 =	rddreg [dreg:$0x0];
	s2 =	stileid.u32  }
0x125: {  	s1 =	rddreg [dreg:$0x1];
	p0 =	sne.s32 s2, $0x0  }
0x126: {  	s3 =	rddreg [dreg:$0x2];
	[bflag:$0x3] =	sbarrier.arrive $0xFFFF;
	s2 =	simm.s32 @!p0 $0x1C02  }
0x127: {  	[timem:s3], [sflag:s2] =	dma.local @!p0 [hbm:s0], s1  }
0x128: {  	s0 =	simm.s32 @!p0 $0x2  }
0x129: {  	_ =	swait.ge @!p0 [sflag:s0], s1  }
0x12a: {  	s1 =	ssub.s32 @!p0 $0x0, s1;
	[sflag:s0] =	ssyncset.done @!p0 $0x0  }
0x12b: {  	[sflag:s0] =	ssyncadd.s32 @!p0 s1  }
0x12c: {  	[bflag:$0x3] =	sbarrier.arrive $0xFFFF  }
0x12d: {  	_ =	shalt  }

</sc_bundles>
